<compile_context>
chip_gen: v7x
topology: tpu7x:2x2x1
jax: 0.10.2.dev20260603
libtpu: 0.0.44.dev20260713+nightly
codegen_flags: <defaults>
</compile_context>

<pallas_src>
import functools

import jax
import jax.numpy as jnp
from jax import lax
from jax.experimental import pallas as pl
from jax.experimental.pallas import tpu as pltpu
from jax.experimental.pallas import tpu_sc as plsc

_CB = 128
_CH = _CB
_DP = 128
_NB = 4


@functools.lru_cache(maxsize=None)
def _make_gather(N, V, D):
    info = plsc.get_sparse_core_info()
    NC, NS = info.num_cores, info.num_subcores
    NW = NC * NS
    per_w = N // NW
    assert per_w * NW == N
    n_ch = per_w // _CH
    assert n_ch * _CH == per_w and n_ch % _NB == 0
    mesh = plsc.VectorSubcoreMesh(core_axis_name="c", subcore_axis_name="s")

    @functools.partial(
        pl.kernel,
        mesh=mesh,
        out_type=jax.ShapeDtypeStruct((N, _DP), jnp.float32),
        scratch_types=[
            pltpu.VMEM((_NB, 1, _CB), jnp.int32),
            pltpu.VMEM((_NB, _CH, _DP), jnp.float32),
            pltpu.SemaphoreType.DMA,
            pltpu.SemaphoreType.DMA,
            pltpu.SemaphoreType.DMA,
            pltpu.SemaphoreType.DMA,
            pltpu.SemaphoreType.DMA,
            pltpu.SemaphoreType.DMA,
            pltpu.SemaphoreType.DMA,
            pltpu.SemaphoreType.DMA,
            pltpu.SemaphoreType.DMA,
            pltpu.SemaphoreType.DMA,
            pltpu.SemaphoreType.DMA,
            pltpu.SemaphoreType.DMA,
        ],
    )
    def k(idx_hbm, table_hbm, out_hbm, idx_v, rows_v,
          sg0, sg1, sg2, sg3, so0, so1, so2, so3, si0, si1, si2, si3):
        sg = (sg0, sg1, sg2, sg3)
        so = (so0, so1, so2, so3)
        si = (si0, si1, si2, si3)
        wid = lax.axis_index("s") * NC + lax.axis_index("c")
        row0 = wid * n_ch

        def start_idx(g, b):
            pltpu.async_copy(idx_hbm.at[pl.ds(row0 + g, 1)], idx_v.at[b], si[b])

        def wait_idx(b):
            pltpu.make_async_copy(idx_hbm.at[pl.ds(0, 1)], idx_v.at[b], si[b]).wait()

        def start_gather(g, b):
            del g
            pltpu.async_copy(table_hbm.at[idx_v.at[b, 0]], rows_v.at[b], sg[b])

        def wait_gather(b):
            pltpu.make_async_copy(table_hbm.at[pl.ds(0, _CH)], rows_v.at[b], sg[b]).wait()

        def start_out(g, b):
            pltpu.async_copy(
                rows_v.at[b], out_hbm.at[pl.ds((row0 + g) * _CB, _CH)], so[b]
            )

        def wait_out(b):
            pltpu.make_async_copy(rows_v.at[b], out_hbm.at[pl.ds(0, _CH)], so[b]).wait()

        def sub_step(g, b, do_wait_out, start_g, start_i):
            bb = (b + 2) % _NB
            wait_gather(b)
            start_out(g, b)
            if do_wait_out:
                wait_out(bb)
            if start_g:
                wait_idx(bb)
                start_gather(g + 2, bb)
            if start_i:
                start_idx(g + 4, b)

        def quad(t, do_wait01, start_g01, start_i):
            g0 = _NB * t
            sub_step(g0 + 0, 0, do_wait01, start_g01, start_i)
            sub_step(g0 + 1, 1, do_wait01, start_g01, start_i)
            sub_step(g0 + 2, 2, True, start_i, start_i)
            sub_step(g0 + 3, 3, True, start_i, start_i)

        for b in range(_NB):
            start_idx(b, b)
        wait_idx(0)
        start_gather(0, 0)
        wait_idx(1)
        start_gather(1, 1)
        T = n_ch // _NB
        quad(0, False, True, True)
        lax.fori_loop(1, T - 1, lambda t, c: (quad(t, True, True, True), c)[1], 0)
        quad(T - 1, True, True, False)
        wait_out(2)
        wait_out(3)

    return k


def kernel(input, table):
    B, H = input.shape
    V, D = table.shape
    N = B * H
    idx2d = input.reshape(N // _CB, _CB).astype(jnp.int32)
    table_p = jnp.pad(table, ((0, 0), (0, _DP - D)))
    out = _make_gather(N, V, D)(idx2d, table_p)
    return out[:, :D].reshape(B, H, D)

# --- scband reference (transcript-rebuilt; emitter-appended) ---
"""Pipeline reference for scband-custom-model-embedding-nn-3753801417096 (READ-ONLY COPY).

The authoritative reference and input builder live on the scoring server;
editing this copy changes nothing except your own understanding.
"""

import jax, jax.numpy as jnp
import numpy as np

VOCAB = 10000
EMBED_DIM = 64
BATCH = 16384
HIST = 200

def setup_inputs(seed: int = 0) -> dict:
    key = jax.random.key(seed)
    k1, k2 = jax.random.split(key)
    input_idx = jax.random.randint(k1, (BATCH, HIST), 0, VOCAB, dtype=jnp.int64 if jax.config.jax_enable_x64 else jnp.int32)
    # nn.Embedding default init: N(0, 1)
    table = jax.random.normal(k2, (VOCAB, EMBED_DIM), dtype=jnp.float32)
    return {"input": input_idx, "table": table}

def reference(input, table):
    # embed = self.embedding(input)  -> gather rows of the table
    embed = jnp.take(table, input, axis=0)
    return embed

if __name__ == "__main__":
    import jax
    _d = setup_inputs()
    print(jax.jit(kernel)(*tuple(_d.values())))

</pallas_src>

<mosaic_0001>
#map = affine_map<(d0, d1) -> (0, 0)>
module attributes {stable_mosaic.version = 14 : i64} {
  func.func @k(%arg0: i32, %arg1: i32, %arg2: memref<25600x128xi32, #tpu.memory_space<hbm>>, %arg3: memref<10000x128xf32, #tpu.memory_space<hbm>>, %arg4: memref<3276800x128xf32, #tpu.memory_space<hbm>>, %arg5: memref<4x1x128xi32, #tpu.memory_space<vmem>>, %arg6: memref<4x128x128xf32, #tpu.memory_space<vmem>>, %arg7: memref<!tpu.dma_semaphore, #tpu.memory_space<semaphore_mem>>, %arg8: memref<!tpu.dma_semaphore, #tpu.memory_space<semaphore_mem>>, %arg9: memref<!tpu.dma_semaphore, #tpu.memory_space<semaphore_mem>>, %arg10: memref<!tpu.dma_semaphore, #tpu.memory_space<semaphore_mem>>, %arg11: memref<!tpu.dma_semaphore, #tpu.memory_space<semaphore_mem>>, %arg12: memref<!tpu.dma_semaphore, #tpu.memory_space<semaphore_mem>>, %arg13: memref<!tpu.dma_semaphore, #tpu.memory_space<semaphore_mem>>, %arg14: memref<!tpu.dma_semaphore, #tpu.memory_space<semaphore_mem>>, %arg15: memref<!tpu.dma_semaphore, #tpu.memory_space<semaphore_mem>>, %arg16: memref<!tpu.dma_semaphore, #tpu.memory_space<semaphore_mem>>, %arg17: memref<!tpu.dma_semaphore, #tpu.memory_space<semaphore_mem>>, %arg18: memref<!tpu.dma_semaphore, #tpu.memory_space<semaphore_mem>>) attributes {dimension_semantics = [#tpu.dimension_semantics<core_parallel>, #tpu.dimension_semantics<subcore_parallel>], iteration_bounds = array<i64: 2, 16>, scalar_prefetch = 0 : i64, scratch_operands = 14 : i64, tpu.core_type = #tpu.core_type<sc_vector_subcore>, window_params = [{transform_indices = #map}, {transform_indices = #map}, {transform_indices = #map}]} {
    %mul3A = arith.constant 2 : i32
    %mul3A_0 = arith.muli %arg1, %mul3A : i32
    %add3A = arith.addi %mul3A_0, %arg0 : i32
    %mul3A_1 = arith.constant 800 : i32
    %mul3A_2 = arith.muli %add3A, %mul3A_1 : i32
    %add3A_3 = arith.constant 0 : i32
    %add3A_4 = arith.addi %mul3A_2, %add3A_3 : i32
    %dma_start3A = arith.constant 0 : i32
    %dma_start3A_5 = arith.constant 0 : i32
    %dma_start3A_6 = arith.constant 0 : i32
    %dma_start3A_7 = tpu.memref_slice %arg5[%dma_start3A, %dma_start3A_5, %dma_start3A_6] : memref<4x1x128xi32, #tpu.memory_space<vmem>> -> memref<1x1x128xi32, #tpu.memory_space<vmem>>
    %dma_start3A_8 = tpu.memref_squeeze %dma_start3A_7 : memref<1x1x128xi32, #tpu.memory_space<vmem>> -> memref<1x128xi32, #tpu.memory_space<vmem>>
    %dma_start3A_9 = arith.constant 0 : i32
    %dma_start3A_10 = tpu.memref_slice %arg2[%add3A_4, %dma_start3A_9] : memref<25600x128xi32, #tpu.memory_space<hbm>> -> memref<1x128xi32, #tpu.memory_space<hbm>>
    %dma_start3A_11 = arith.constant 0 : i32
    %dma_start3A_12 = arith.constant 0 : i32
    %dma_start3A_13 = tpu.memref_slice %arg5[%dma_start3A, %dma_start3A_11, %dma_start3A_12] : memref<4x1x128xi32, #tpu.memory_space<vmem>> -> memref<1x1x128xi32, #tpu.memory_space<vmem>>
    %dma_start3A_14 = tpu.memref_squeeze %dma_start3A_13 : memref<1x1x128xi32, #tpu.memory_space<vmem>> -> memref<1x128xi32, #tpu.memory_space<vmem>>
    %dma_start3A_15 = arith.constant 0 : i32
    %dma_start3A_16 = tpu.memref_slice %arg2[%add3A_4, %dma_start3A_15] : memref<25600x128xi32, #tpu.memory_space<hbm>> -> memref<1x128xi32, #tpu.memory_space<hbm>>
    tpu.enqueue_dma source(%dma_start3A_16 : memref<1x128xi32, #tpu.memory_space<hbm>>) target(%dma_start3A_14 : memref<1x128xi32, #tpu.memory_space<vmem>>) target_semaphore(%arg15 : memref<!tpu.dma_semaphore, #tpu.memory_space<semaphore_mem>>)
    %add3A_17 = arith.constant 1 : i32
    %add3A_18 = arith.addi %mul3A_2, %add3A_17 : i32
    %dma_start3A_19 = arith.constant 1 : i32
    %dma_start3A_20 = arith.constant 0 : i32
    %dma_start3A_21 = arith.constant 0 : i32
    %dma_start3A_22 = tpu.memref_slice %arg5[%dma_start3A_19, %dma_start3A_20, %dma_start3A_21] : memref<4x1x128xi32, #tpu.memory_space<vmem>> -> memref<1x1x128xi32, #tpu.memory_space<vmem>>
    %dma_start3A_23 = tpu.memref_squeeze %dma_start3A_22 : memref<1x1x128xi32, #tpu.memory_space<vmem>> -> memref<1x128xi32, #tpu.memory_space<vmem>>
    %dma_start3A_24 = arith.constant 0 : i32
    %dma_start3A_25 = tpu.memref_slice %arg2[%add3A_18, %dma_start3A_24] : memref<25600x128xi32, #tpu.memory_space<hbm>> -> memref<1x128xi32, #tpu.memory_space<hbm>>
    %dma_start3A_26 = arith.constant 0 : i32
    %dma_start3A_27 = arith.constant 0 : i32
    %dma_start3A_28 = tpu.memref_slice %arg5[%dma_start3A_19, %dma_start3A_26, %dma_start3A_27] : memref<4x1x128xi32, #tpu.memory_space<vmem>> -> memref<1x1x128xi32, #tpu.memory_space<vmem>>
    %dma_start3A_29 = tpu.memref_squeeze %dma_start3A_28 : memref<1x1x128xi32, #tpu.memory_space<vmem>> -> memref<1x128xi32, #tpu.memory_space<vmem>>
    %dma_start3A_30 = arith.constant 0 : i32
    %dma_start3A_31 = tpu.memref_slice %arg2[%add3A_18, %dma_start3A_30] : memref<25600x128xi32, #tpu.memory_space<hbm>> -> memref<1x128xi32, #tpu.memory_space<hbm>>
    tpu.enqueue_dma source(%dma_start3A_31 : memref<1x128xi32, #tpu.memory_space<hbm>>) target(%dma_start3A_29 : memref<1x128xi32, #tpu.memory_space<vmem>>) target_semaphore(%arg16 : memref<!tpu.dma_semaphore, #tpu.memory_space<semaphore_mem>>)
    %add3A_32 = arith.constant 2 : i32
    %add3A_33 = arith.addi %mul3A_2, %add3A_32 : i32
    %dma_start3A_34 = arith.constant 2 : i32
    %dma_start3A_35 = arith.constant 0 : i32
    %dma_start3A_36 = arith.constant 0 : i32
    %dma_start3A_37 = tpu.memref_slice %arg5[%dma_start3A_34, %dma_start3A_35, %dma_start3A_36] : memref<4x1x128xi32, #tpu.memory_space<vmem>> -> memref<1x1x128xi32, #tpu.memory_space<vmem>>
    %dma_start3A_38 = tpu.memref_squeeze %dma_start3A_37 : memref<1x1x128xi32, #tpu.memory_space<vmem>> -> memref<1x128xi32, #tpu.memory_space<vmem>>
    %dma_start3A_39 = arith.constant 0 : i32
    %dma_start3A_40 = tpu.memref_slice %arg2[%add3A_33, %dma_start3A_39] : memref<25600x128xi32, #tpu.memory_space<hbm>> -> memref<1x128xi32, #tpu.memory_space<hbm>>
    %dma_start3A_41 = arith.constant 0 : i32
    %dma_start3A_42 = arith.constant 0 : i32
    %dma_start3A_43 = tpu.memref_slice %arg5[%dma_start3A_34, %dma_start3A_41, %dma_start3A_42] : memref<4x1x128xi32, #tpu.memory_space<vmem>> -> memref<1x1x128xi32, #tpu.memory_space<vmem>>
    %dma_start3A_44 = tpu.memref_squeeze %dma_start3A_43 : memref<1x1x128xi32, #tpu.memory_space<vmem>> -> memref<1x128xi32, #tpu.memory_space<vmem>>
    %dma_start3A_45 = arith.constant 0 : i32
    %dma_start3A_46 = tpu.memref_slice %arg2[%add3A_33, %dma_start3A_45] : memref<25600x128xi32, #tpu.memory_space<hbm>> -> memref<1x128xi32, #tpu.memory_space<hbm>>
    tpu.enqueue_dma source(%dma_start3A_46 : memref<1x128xi32, #tpu.memory_space<hbm>>) target(%dma_start3A_44 : memref<1x128xi32, #tpu.memory_space<vmem>>) target_semaphore(%arg17 : memref<!tpu.dma_semaphore, #tpu.memory_space<semaphore_mem>>)
    %add3A_47 = arith.constant 3 : i32
    %add3A_48 = arith.addi %mul3A_2, %add3A_47 : i32
    %dma_start3A_49 = arith.constant 3 : i32
    %dma_start3A_50 = arith.constant 0 : i32
    %dma_start3A_51 = arith.constant 0 : i32
    %dma_start3A_52 = tpu.memref_slice %arg5[%dma_start3A_49, %dma_start3A_50, %dma_start3A_51] : memref<4x1x128xi32, #tpu.memory_space<vmem>> -> memref<1x1x128xi32, #tpu.memory_space<vmem>>
    %dma_start3A_53 = tpu.memref_squeeze %dma_start3A_52 : memref<1x1x128xi32, #tpu.memory_space<vmem>> -> memref<1x128xi32, #tpu.memory_space<vmem>>
    %dma_start3A_54 = arith.constant 0 : i32
    %dma_start3A_55 = tpu.memref_slice %arg2[%add3A_48, %dma_start3A_54] : memref<25600x128xi32, #tpu.memory_space<hbm>> -> memref<1x128xi32, #tpu.memory_space<hbm>>
    %dma_start3A_56 = arith.constant 0 : i32
    %dma_start3A_57 = arith.constant 0 : i32
    %dma_start3A_58 = tpu.memref_slice %arg5[%dma_start3A_49, %dma_start3A_56, %dma_start3A_57] : memref<4x1x128xi32, #tpu.memory_space<vmem>> -> memref<1x1x128xi32, #tpu.memory_space<vmem>>
    %dma_start3A_59 = tpu.memref_squeeze %dma_start3A_58 : memref<1x1x128xi32, #tpu.memory_space<vmem>> -> memref<1x128xi32, #tpu.memory_space<vmem>>
    %dma_start3A_60 = arith.constant 0 : i32
    %dma_start3A_61 = tpu.memref_slice %arg2[%add3A_48, %dma_start3A_60] : memref<25600x128xi32, #tpu.memory_space<hbm>> -> memref<1x128xi32, #tpu.memory_space<hbm>>
    tpu.enqueue_dma source(%dma_start3A_61 : memref<1x128xi32, #tpu.memory_space<hbm>>) target(%dma_start3A_59 : memref<1x128xi32, #tpu.memory_space<vmem>>) target_semaphore(%arg18 : memref<!tpu.dma_semaphore, #tpu.memory_space<semaphore_mem>>)
    %dma_wait3A = arith.constant 0 : i32
    %dma_wait3A_62 = arith.constant 0 : i32
    %dma_wait3A_63 = arith.constant 0 : i32
    %dma_wait3A_64 = tpu.memref_slice %arg5[%dma_wait3A, %dma_wait3A_62, %dma_wait3A_63] : memref<4x1x128xi32, #tpu.memory_space<vmem>> -> memref<1x1x128xi32, #tpu.memory_space<vmem>>
    %dma_wait3A_65 = tpu.memref_squeeze %dma_wait3A_64 : memref<1x1x128xi32, #tpu.memory_space<vmem>> -> memref<1x128xi32, #tpu.memory_space<vmem>>
    %dma_wait3A_66 = arith.constant 0 : i32
    %dma_wait3A_67 = arith.constant 0 : i32
    %dma_wait3A_68 = tpu.memref_slice %arg2[%dma_wait3A_66, %dma_wait3A_67] : memref<25600x128xi32, #tpu.memory_space<hbm>> -> memref<1x128xi32, #tpu.memory_space<hbm>>
    %dma_wait3A_69 = arith.constant 0 : i32
    %dma_wait3A_70 = arith.constant 0 : i32
    %dma_wait3A_71 = tpu.memref_slice %arg5[%dma_wait3A, %dma_wait3A_69, %dma_wait3A_70] : memref<4x1x128xi32, #tpu.memory_space<vmem>> -> memref<1x1x128xi32, #tpu.memory_space<vmem>>
    %dma_wait3A_72 = tpu.memref_squeeze %dma_wait3A_71 : memref<1x1x128xi32, #tpu.memory_space<vmem>> -> memref<1x128xi32, #tpu.memory_space<vmem>>
    %dma_wait3A_73 = arith.constant 0 : i32
    %dma_wait3A_74 = arith.constant 0 : i32
    %dma_wait3A_75 = tpu.memref_slice %arg2[%dma_wait3A_73, %dma_wait3A_74] : memref<25600x128xi32, #tpu.memory_space<hbm>> -> memref<1x128xi32, #tpu.memory_space<hbm>>
    tpu.wait_dma2 semaphore(%arg15 : memref<!tpu.dma_semaphore, #tpu.memory_space<semaphore_mem>>) src(%dma_wait3A_75 : memref<1x128xi32, #tpu.memory_space<hbm>>) dst(%dma_wait3A_72 : memref<1x128xi32, #tpu.memory_space<vmem>>)
    %dma_start3A_76 = arith.constant 0 : i32
    %dma_start3A_77 = arith.constant 0 : i32
    %dma_start3A_78 = arith.constant 0 : i32
    %dma_start3A_79 = arith.constant 0 : i32
    %dma_start3A_80 = arith.constant 0 : i32
    %dma_start3A_81 = tpu.memref_slice %arg6[%dma_start3A_78, %dma_start3A_79, %dma_start3A_80] : memref<4x128x128xf32, #tpu.memory_space<vmem>> -> memref<1x128x128xf32, #tpu.memory_space<vmem>>
    %dma_start3A_82 = tpu.memref_squeeze %dma_start3A_81 : memref<1x128x128xf32, #tpu.memory_space<vmem>> -> memref<128x128xf32, #tpu.memory_space<vmem>>
    %dma_start3A_83 = arith.constant 0 : i32
    %dma_start3A_84 = tpu.memref_slice %arg5[%dma_start3A_76, %dma_start3A_77, %dma_start3A_83] : memref<4x1x128xi32, #tpu.memory_space<vmem>> -> memref<1x1x128xi32, #tpu.memory_space<vmem>>
    %dma_start3A_85 = tpu.memref_squeeze %dma_start3A_84 : memref<1x1x128xi32, #tpu.memory_space<vmem>> -> memref<128xi32, #tpu.memory_space<vmem>>
    %dma_start3A_86 = arith.constant 0 : i32
    %dma_start3A_87 = arith.constant 0 : i32
    %dma_start3A_88 = tpu.memref_slice %arg3[%dma_start3A_86, %dma_start3A_87] : memref<10000x128xf32, #tpu.memory_space<hbm>> -> memref<10000x128xf32, #tpu.memory_space<hbm>>
    tpu.enqueue_indirect_dma source(%dma_start3A_88 : memref<10000x128xf32, #tpu.memory_space<hbm>>) target(%dma_start3A_82 : memref<128x128xf32, #tpu.memory_space<vmem>>) offsets(%dma_start3A_85 : memref<128xi32, #tpu.memory_space<vmem>>) semaphore(%arg7 : memref<!tpu.dma_semaphore, #tpu.memory_space<semaphore_mem>>)
    %dma_wait3A_89 = arith.constant 1 : i32
    %dma_wait3A_90 = arith.constant 0 : i32
    %dma_wait3A_91 = arith.constant 0 : i32
    %dma_wait3A_92 = tpu.memref_slice %arg5[%dma_wait3A_89, %dma_wait3A_90, %dma_wait3A_91] : memref<4x1x128xi32, #tpu.memory_space<vmem>> -> memref<1x1x128xi32, #tpu.memory_space<vmem>>
    %dma_wait3A_93 = tpu.memref_squeeze %dma_wait3A_92 : memref<1x1x128xi32, #tpu.memory_space<vmem>> -> memref<1x128xi32, #tpu.memory_space<vmem>>
    %dma_wait3A_94 = arith.constant 0 : i32
    %dma_wait3A_95 = arith.constant 0 : i32
    %dma_wait3A_96 = tpu.memref_slice %arg2[%dma_wait3A_94, %dma_wait3A_95] : memref<25600x128xi32, #tpu.memory_space<hbm>> -> memref<1x128xi32, #tpu.memory_space<hbm>>
    %dma_wait3A_97 = arith.constant 0 : i32
    %dma_wait3A_98 = arith.constant 0 : i32
    %dma_wait3A_99 = tpu.memref_slice %arg5[%dma_wait3A_89, %dma_wait3A_97, %dma_wait3A_98] : memref<4x1x128xi32, #tpu.memory_space<vmem>> -> memref<1x1x128xi32, #tpu.memory_space<vmem>>
    %dma_wait3A_100 = tpu.memref_squeeze %dma_wait3A_99 : memref<1x1x128xi32, #tpu.memory_space<vmem>> -> memref<1x128xi32, #tpu.memory_space<vmem>>
    %dma_wait3A_101 = arith.constant 0 : i32
    %dma_wait3A_102 = arith.constant 0 : i32
    %dma_wait3A_103 = tpu.memref_slice %arg2[%dma_wait3A_101, %dma_wait3A_102] : memref<25600x128xi32, #tpu.memory_space<hbm>> -> memref<1x128xi32, #tpu.memory_space<hbm>>
    tpu.wait_dma2 semaphore(%arg16 : memref<!tpu.dma_semaphore, #tpu.memory_space<semaphore_mem>>) src(%dma_wait3A_103 : memref<1x128xi32, #tpu.memory_space<hbm>>) dst(%dma_wait3A_100 : memref<1x128xi32, #tpu.memory_space<vmem>>)
    %dma_start3A_104 = arith.constant 1 : i32
    %dma_start3A_105 = arith.constant 0 : i32
    %dma_start3A_106 = arith.constant 1 : i32
    %dma_start3A_107 = arith.constant 0 : i32
    %dma_start3A_108 = arith.constant 0 : i32
    %dma_start3A_109 = tpu.memref_slice %arg6[%dma_start3A_106, %dma_start3A_107, %dma_start3A_108] : memref<4x128x128xf32, #tpu.memory_space<vmem>> -> memref<1x128x128xf32, #tpu.memory_space<vmem>>
    %dma_start3A_110 = tpu.memref_squeeze %dma_start3A_109 : memref<1x128x128xf32, #tpu.memory_space<vmem>> -> memref<128x128xf32, #tpu.memory_space<vmem>>
    %dma_start3A_111 = arith.constant 0 : i32
    %dma_start3A_112 = tpu.memref_slice %arg5[%dma_start3A_104, %dma_start3A_105, %dma_start3A_111] : memref<4x1x128xi32, #tpu.memory_space<vmem>> -> memref<1x1x128xi32, #tpu.memory_space<vmem>>
    %dma_start3A_113 = tpu.memref_squeeze %dma_start3A_112 : memref<1x1x128xi32, #tpu.memory_space<vmem>> -> memref<128xi32, #tpu.memory_space<vmem>>
    %dma_start3A_114 = arith.constant 0 : i32
    %dma_start3A_115 = arith.constant 0 : i32
    %dma_start3A_116 = tpu.memref_slice %arg3[%dma_start3A_114, %dma_start3A_115] : memref<10000x128xf32, #tpu.memory_space<hbm>> -> memref<10000x128xf32, #tpu.memory_space<hbm>>
    tpu.enqueue_indirect_dma source(%dma_start3A_116 : memref<10000x128xf32, #tpu.memory_space<hbm>>) target(%dma_start3A_110 : memref<128x128xf32, #tpu.memory_space<vmem>>) offsets(%dma_start3A_113 : memref<128xi32, #tpu.memory_space<vmem>>) semaphore(%arg8 : memref<!tpu.dma_semaphore, #tpu.memory_space<semaphore_mem>>)
    %dma_wait3A_117 = arith.constant 0 : i32
    %dma_wait3A_118 = arith.constant 0 : i32
    %dma_wait3A_119 = arith.constant 0 : i32
    %dma_wait3A_120 = tpu.memref_slice %arg6[%dma_wait3A_117, %dma_wait3A_118, %dma_wait3A_119] : memref<4x128x128xf32, #tpu.memory_space<vmem>> -> memref<1x128x128xf32, #tpu.memory_space<vmem>>
    %dma_wait3A_121 = tpu.memref_squeeze %dma_wait3A_120 : memref<1x128x128xf32, #tpu.memory_space<vmem>> -> memref<128x128xf32, #tpu.memory_space<vmem>>
    %dma_wait3A_122 = arith.constant 0 : i32
    %dma_wait3A_123 = arith.constant 0 : i32
    %dma_wait3A_124 = tpu.memref_slice %arg3[%dma_wait3A_122, %dma_wait3A_123] : memref<10000x128xf32, #tpu.memory_space<hbm>> -> memref<128x128xf32, #tpu.memory_space<hbm>>
    %dma_wait3A_125 = arith.constant 0 : i32
    %dma_wait3A_126 = arith.constant 0 : i32
    %dma_wait3A_127 = tpu.memref_slice %arg6[%dma_wait3A_117, %dma_wait3A_125, %dma_wait3A_126] : memref<4x128x128xf32, #tpu.memory_space<vmem>> -> memref<1x128x128xf32, #tpu.memory_space<vmem>>
    %dma_wait3A_128 = tpu.memref_squeeze %dma_wait3A_127 : memref<1x128x128xf32, #tpu.memory_space<vmem>> -> memref<128x128xf32, #tpu.memory_space<vmem>>
    %dma_wait3A_129 = arith.constant 0 : i32
    %dma_wait3A_130 = arith.constant 0 : i32
    %dma_wait3A_131 = tpu.memref_slice %arg3[%dma_wait3A_129, %dma_wait3A_130] : memref<10000x128xf32, #tpu.memory_space<hbm>> -> memref<128x128xf32, #tpu.memory_space<hbm>>
    tpu.wait_dma2 semaphore(%arg7 : memref<!tpu.dma_semaphore, #tpu.memory_space<semaphore_mem>>) src(%dma_wait3A_131 : memref<128x128xf32, #tpu.memory_space<hbm>>) dst(%dma_wait3A_128 : memref<128x128xf32, #tpu.memory_space<vmem>>)
    %add3A_132 = arith.constant 0 : i32
    %add3A_133 = arith.addi %mul3A_2, %add3A_132 : i32
    %mul3A_134 = arith.constant 128 : i32
    %mul3A_135 = arith.muli %add3A_133, %mul3A_134 : i32
    %dma_start3A_136 = arith.constant 0 : i32
    %dma_start3A_137 = arith.constant 0 : i32
    %dma_start3A_138 = arith.constant 0 : i32
    %dma_start3A_139 = tpu.memref_slice %arg6[%dma_start3A_136, %dma_start3A_137, %dma_start3A_138] : memref<4x128x128xf32, #tpu.memory_space<vmem>> -> memref<1x128x128xf32, #tpu.memory_space<vmem>>
    %dma_start3A_140 = tpu.memref_squeeze %dma_start3A_139 : memref<1x128x128xf32, #tpu.memory_space<vmem>> -> memref<128x128xf32, #tpu.memory_space<vmem>>
    %dma_start3A_141 = arith.constant 0 : i32
    %dma_start3A_142 = tpu.memref_slice %arg4[%mul3A_135, %dma_start3A_141] : memref<3276800x128xf32, #tpu.memory_space<hbm>> -> memref<128x128xf32, #tpu.memory_space<hbm>>
    %dma_start3A_143 = arith.constant 0 : i32
    %dma_start3A_144 = tpu.memref_slice %arg4[%mul3A_135, %dma_start3A_143] : memref<3276800x128xf32, #tpu.memory_space<hbm>> -> memref<128x128xf32, #tpu.memory_space<hbm>>
    %dma_start3A_145 = arith.constant 0 : i32
    %dma_start3A_146 = arith.constant 0 : i32
    %dma_start3A_147 = tpu.memref_slice %arg6[%dma_start3A_136, %dma_start3A_145, %dma_start3A_146] : memref<4x128x128xf32, #tpu.memory_space<vmem>> -> memref<1x128x128xf32, #tpu.memory_space<vmem>>
    %dma_start3A_148 = tpu.memref_squeeze %dma_start3A_147 : memref<1x128x128xf32, #tpu.memory_space<vmem>> -> memref<128x128xf32, #tpu.memory_space<vmem>>
    tpu.enqueue_dma source(%dma_start3A_148 : memref<128x128xf32, #tpu.memory_space<vmem>>) target(%dma_start3A_144 : memref<128x128xf32, #tpu.memory_space<hbm>>) target_semaphore(%arg11 : memref<!tpu.dma_semaphore, #tpu.memory_space<semaphore_mem>>)
    %dma_wait3A_149 = arith.constant 2 : i32
    %dma_wait3A_150 = arith.constant 0 : i32
    %dma_wait3A_151 = arith.constant 0 : i32
    %dma_wait3A_152 = tpu.memref_slice %arg5[%dma_wait3A_149, %dma_wait3A_150, %dma_wait3A_151] : memref<4x1x128xi32, #tpu.memory_space<vmem>> -> memref<1x1x128xi32, #tpu.memory_space<vmem>>
    %dma_wait3A_153 = tpu.memref_squeeze %dma_wait3A_152 : memref<1x1x128xi32, #tpu.memory_space<vmem>> -> memref<1x128xi32, #tpu.memory_space<vmem>>
    %dma_wait3A_154 = arith.constant 0 : i32
    %dma_wait3A_155 = arith.constant 0 : i32
    %dma_wait3A_156 = tpu.memref_slice %arg2[%dma_wait3A_154, %dma_wait3A_155] : memref<25600x128xi32, #tpu.memory_space<hbm>> -> memref<1x128xi32, #tpu.memory_space<hbm>>
    %dma_wait3A_157 = arith.constant 0 : i32
    %dma_wait3A_158 = arith.constant 0 : i32
    %dma_wait3A_159 = tpu.memref_slice %arg5[%dma_wait3A_149, %dma_wait3A_157, %dma_wait3A_158] : memref<4x1x128xi32, #tpu.memory_space<vmem>> -> memref<1x1x128xi32, #tpu.memory_space<vmem>>
    %dma_wait3A_160 = tpu.memref_squeeze %dma_wait3A_159 : memref<1x1x128xi32, #tpu.memory_space<vmem>> -> memref<1x128xi32, #tpu.memory_space<vmem>>
    %dma_wait3A_161 = arith.constant 0 : i32
    %dma_wait3A_162 = arith.constant 0 : i32
    %dma_wait3A_163 = tpu.memref_slice %arg2[%dma_wait3A_161, %dma_wait3A_162] : memref<25600x128xi32, #tpu.memory_space<hbm>> -> memref<1x128xi32, #tpu.memory_space<hbm>>
    tpu.wait_dma2 semaphore(%arg17 : memref<!tpu.dma_semaphore, #tpu.memory_space<semaphore_mem>>) src(%dma_wait3A_163 : memref<1x128xi32, #tpu.memory_space<hbm>>) dst(%dma_wait3A_160 : memref<1x128xi32, #tpu.memory_space<vmem>>)
    %dma_start3A_164 = arith.constant 2 : i32
    %dma_start3A_165 = arith.constant 0 : i32
    %dma_start3A_166 = arith.constant 2 : i32
    %dma_start3A_167 = arith.constant 0 : i32
    %dma_start3A_168 = arith.constant 0 : i32
    %dma_start3A_169 = tpu.memref_slice %arg6[%dma_start3A_166, %dma_start3A_167, %dma_start3A_168] : memref<4x128x128xf32, #tpu.memory_space<vmem>> -> memref<1x128x128xf32, #tpu.memory_space<vmem>>
    %dma_start3A_170 = tpu.memref_squeeze %dma_start3A_169 : memref<1x128x128xf32, #tpu.memory_space<vmem>> -> memref<128x128xf32, #tpu.memory_space<vmem>>
    %dma_start3A_171 = arith.constant 0 : i32
    %dma_start3A_172 = tpu.memref_slice %arg5[%dma_start3A_164, %dma_start3A_165, %dma_start3A_171] : memref<4x1x128xi32, #tpu.memory_space<vmem>> -> memref<1x1x128xi32, #tpu.memory_space<vmem>>
    %dma_start3A_173 = tpu.memref_squeeze %dma_start3A_172 : memref<1x1x128xi32, #tpu.memory_space<vmem>> -> memref<128xi32, #tpu.memory_space<vmem>>
    %dma_start3A_174 = arith.constant 0 : i32
    %dma_start3A_175 = arith.constant 0 : i32
    %dma_start3A_176 = tpu.memref_slice %arg3[%dma_start3A_174, %dma_start3A_175] : memref<10000x128xf32, #tpu.memory_space<hbm>> -> memref<10000x128xf32, #tpu.memory_space<hbm>>
    tpu.enqueue_indirect_dma source(%dma_start3A_176 : memref<10000x128xf32, #tpu.memory_space<hbm>>) target(%dma_start3A_170 : memref<128x128xf32, #tpu.memory_space<vmem>>) offsets(%dma_start3A_173 : memref<128xi32, #tpu.memory_space<vmem>>) semaphore(%arg9 : memref<!tpu.dma_semaphore, #tpu.memory_space<semaphore_mem>>)
    %add3A_177 = arith.constant 4 : i32
    %add3A_178 = arith.addi %mul3A_2, %add3A_177 : i32
    %dma_start3A_179 = arith.constant 0 : i32
    %dma_start3A_180 = arith.constant 0 : i32
    %dma_start3A_181 = arith.constant 0 : i32
    %dma_start3A_182 = tpu.memref_slice %arg5[%dma_start3A_179, %dma_start3A_180, %dma_start3A_181] : memref<4x1x128xi32, #tpu.memory_space<vmem>> -> memref<1x1x128xi32, #tpu.memory_space<vmem>>
    %dma_start3A_183 = tpu.memref_squeeze %dma_start3A_182 : memref<1x1x128xi32, #tpu.memory_space<vmem>> -> memref<1x128xi32, #tpu.memory_space<vmem>>
    %dma_start3A_184 = arith.constant 0 : i32
    %dma_start3A_185 = tpu.memref_slice %arg2[%add3A_178, %dma_start3A_184] : memref<25600x128xi32, #tpu.memory_space<hbm>> -> memref<1x128xi32, #tpu.memory_space<hbm>>
    %dma_start3A_186 = arith.constant 0 : i32
    %dma_start3A_187 = arith.constant 0 : i32
    %dma_start3A_188 = tpu.memref_slice %arg5[%dma_start3A_179, %dma_start3A_186, %dma_start3A_187] : memref<4x1x128xi32, #tpu.memory_space<vmem>> -> memref<1x1x128xi32, #tpu.memory_space<vmem>>
    %dma_start3A_189 = tpu.memref_squeeze %dma_start3A_188 : memref<1x1x128xi32, #tpu.memory_space<vmem>> -> memref<1x128xi32, #tpu.memory_space<vmem>>
    %dma_start3A_190 = arith.constant 0 : i32
    %dma_start3A_191 = tpu.memref_slice %arg2[%add3A_178, %dma_start3A_190] : memref<25600x128xi32, #tpu.memory_space<hbm>> -> memref<1x128xi32, #tpu.memory_space<hbm>>
    tpu.enqueue_dma source(%dma_start3A_191 : memref<1x128xi32, #tpu.memory_space<hbm>>) target(%dma_start3A_189 : memref<1x128xi32, #tpu.memory_space<vmem>>) target_semaphore(%arg15 : memref<!tpu.dma_semaphore, #tpu.memory_space<semaphore_mem>>)
    %dma_wait3A_192 = arith.constant 1 : i32
    %dma_wait3A_193 = arith.constant 0 : i32
    %dma_wait3A_194 = arith.constant 0 : i32
    %dma_wait3A_195 = tpu.memref_slice %arg6[%dma_wait3A_192, %dma_wait3A_193, %dma_wait3A_194] : memref<4x128x128xf32, #tpu.memory_space<vmem>> -> memref<1x128x128xf32, #tpu.memory_space<vmem>>
    %dma_wait3A_196 = tpu.memref_squeeze %dma_wait3A_195 : memref<1x128x128xf32, #tpu.memory_space<vmem>> -> memref<128x128xf32, #tpu.memory_space<vmem>>
    %dma_wait3A_197 = arith.constant 0 : i32
    %dma_wait3A_198 = arith.constant 0 : i32
    %dma_wait3A_199 = tpu.memref_slice %arg3[%dma_wait3A_197, %dma_wait3A_198] : memref<10000x128xf32, #tpu.memory_space<hbm>> -> memref<128x128xf32, #tpu.memory_space<hbm>>
    %dma_wait3A_200 = arith.constant 0 : i32
    %dma_wait3A_201 = arith.constant 0 : i32
    %dma_wait3A_202 = tpu.memref_slice %arg6[%dma_wait3A_192, %dma_wait3A_200, %dma_wait3A_201] : memref<4x128x128xf32, #tpu.memory_space<vmem>> -> memref<1x128x128xf32, #tpu.memory_space<vmem>>
    %dma_wait3A_203 = tpu.memref_squeeze %dma_wait3A_202 : memref<1x128x128xf32, #tpu.memory_space<vmem>> -> memref<128x128xf32, #tpu.memory_space<vmem>>
    %dma_wait3A_204 = arith.constant 0 : i32
    %dma_wait3A_205 = arith.constant 0 : i32
    %dma_wait3A_206 = tpu.memref_slice %arg3[%dma_wait3A_204, %dma_wait3A_205] : memref<10000x128xf32, #tpu.memory_space<hbm>> -> memref<128x128xf32, #tpu.memory_space<hbm>>
    tpu.wait_dma2 semaphore(%arg8 : memref<!tpu.dma_semaphore, #tpu.memory_space<semaphore_mem>>) src(%dma_wait3A_206 : memref<128x128xf32, #tpu.memory_space<hbm>>) dst(%dma_wait3A_203 : memref<128x128xf32, #tpu.memory_space<vmem>>)
    %add3A_207 = arith.constant 1 : i32
    %add3A_208 = arith.addi %mul3A_2, %add3A_207 : i32
    %mul3A_209 = arith.constant 128 : i32
    %mul3A_210 = arith.muli %add3A_208, %mul3A_209 : i32
    %dma_start3A_211 = arith.constant 1 : i32
    %dma_start3A_212 = arith.constant 0 : i32
    %dma_start3A_213 = arith.constant 0 : i32
    %dma_start3A_214 = tpu.memref_slice %arg6[%dma_start3A_211, %dma_start3A_212, %dma_start3A_213] : memref<4x128x128xf32, #tpu.memory_space<vmem>> -> memref<1x128x128xf32, #tpu.memory_space<vmem>>
    %dma_start3A_215 = tpu.memref_squeeze %dma_start3A_214 : memref<1x128x128xf32, #tpu.memory_space<vmem>> -> memref<128x128xf32, #tpu.memory_space<vmem>>
    %dma_start3A_216 = arith.constant 0 : i32
    %dma_start3A_217 = tpu.memref_slice %arg4[%mul3A_210, %dma_start3A_216] : memref<3276800x128xf32, #tpu.memory_space<hbm>> -> memref<128x128xf32, #tpu.memory_space<hbm>>
    %dma_start3A_218 = arith.constant 0 : i32
    %dma_start3A_219 = tpu.memref_slice %arg4[%mul3A_210, %dma_start3A_218] : memref<3276800x128xf32, #tpu.memory_space<hbm>> -> memref<128x128xf32, #tpu.memory_space<hbm>>
    %dma_start3A_220 = arith.constant 0 : i32
    %dma_start3A_221 = arith.constant 0 : i32
    %dma_start3A_222 = tpu.memref_slice %arg6[%dma_start3A_211, %dma_start3A_220, %dma_start3A_221] : memref<4x128x128xf32, #tpu.memory_space<vmem>> -> memref<1x128x128xf32, #tpu.memory_space<vmem>>
    %dma_start3A_223 = tpu.memref_squeeze %dma_start3A_222 : memref<1x128x128xf32, #tpu.memory_space<vmem>> -> memref<128x128xf32, #tpu.memory_space<vmem>>
    tpu.enqueue_dma source(%dma_start3A_223 : memref<128x128xf32, #tpu.memory_space<vmem>>) target(%dma_start3A_219 : memref<128x128xf32, #tpu.memory_space<hbm>>) target_semaphore(%arg12 : memref<!tpu.dma_semaphore, #tpu.memory_space<semaphore_mem>>)
    %dma_wait3A_224 = arith.constant 3 : i32
    %dma_wait3A_225 = arith.constant 0 : i32
    %dma_wait3A_226 = arith.constant 0 : i32
    %dma_wait3A_227 = tpu.memref_slice %arg5[%dma_wait3A_224, %dma_wait3A_225, %dma_wait3A_226] : memref<4x1x128xi32, #tpu.memory_space<vmem>> -> memref<1x1x128xi32, #tpu.memory_space<vmem>>
    %dma_wait3A_228 = tpu.memref_squeeze %dma_wait3A_227 : memref<1x1x128xi32, #tpu.memory_space<vmem>> -> memref<1x128xi32, #tpu.memory_space<vmem>>
    %dma_wait3A_229 = arith.constant 0 : i32
    %dma_wait3A_230 = arith.constant 0 : i32
    %dma_wait3A_231 = tpu.memref_slice %arg2[%dma_wait3A_229, %dma_wait3A_230] : memref<25600x128xi32, #tpu.memory_space<hbm>> -> memref<1x128xi32, #tpu.memory_space<hbm>>
    %dma_wait3A_232 = arith.constant 0 : i32
    %dma_wait3A_233 = arith.constant 0 : i32
    %dma_wait3A_234 = tpu.memref_slice %arg5[%dma_wait3A_224, %dma_wait3A_232, %dma_wait3A_233] : memref<4x1x128xi32, #tpu.memory_space<vmem>> -> memref<1x1x128xi32, #tpu.memory_space<vmem>>
    %dma_wait3A_235 = tpu.memref_squeeze %dma_wait3A_234 : memref<1x1x128xi32, #tpu.memory_space<vmem>> -> memref<1x128xi32, #tpu.memory_space<vmem>>
    %dma_wait3A_236 = arith.constant 0 : i32
    %dma_wait3A_237 = arith.constant 0 : i32
    %dma_wait3A_238 = tpu.memref_slice %arg2[%dma_wait3A_236, %dma_wait3A_237] : memref<25600x128xi32, #tpu.memory_space<hbm>> -> memref<1x128xi32, #tpu.memory_space<hbm>>
    tpu.wait_dma2 semaphore(%arg18 : memref<!tpu.dma_semaphore, #tpu.memory_space<semaphore_mem>>) src(%dma_wait3A_238 : memref<1x128xi32, #tpu.memory_space<hbm>>) dst(%dma_wait3A_235 : memref<1x128xi32, #tpu.memory_space<vmem>>)
    %dma_start3A_239 = arith.constant 3 : i32
    %dma_start3A_240 = arith.constant 0 : i32
    %dma_start3A_241 = arith.constant 3 : i32
    %dma_start3A_242 = arith.constant 0 : i32
    %dma_start3A_243 = arith.constant 0 : i32
    %dma_start3A_244 = tpu.memref_slice %arg6[%dma_start3A_241, %dma_start3A_242, %dma_start3A_243] : memref<4x128x128xf32, #tpu.memory_space<vmem>> -> memref<1x128x128xf32, #tpu.memory_space<vmem>>
    %dma_start3A_245 = tpu.memref_squeeze %dma_start3A_244 : memref<1x128x128xf32, #tpu.memory_space<vmem>> -> memref<128x128xf32, #tpu.memory_space<vmem>>
    %dma_start3A_246 = arith.constant 0 : i32
    %dma_start3A_247 = tpu.memref_slice %arg5[%dma_start3A_239, %dma_start3A_240, %dma_start3A_246] : memref<4x1x128xi32, #tpu.memory_space<vmem>> -> memref<1x1x128xi32, #tpu.memory_space<vmem>>
    %dma_start3A_248 = tpu.memref_squeeze %dma_start3A_247 : memref<1x1x128xi32, #tpu.memory_space<vmem>> -> memref<128xi32, #tpu.memory_space<vmem>>
    %dma_start3A_249 = arith.constant 0 : i32
    %dma_start3A_250 = arith.constant 0 : i32
    %dma_start3A_251 = tpu.memref_slice %arg3[%dma_start3A_249, %dma_start3A_250] : memref<10000x128xf32, #tpu.memory_space<hbm>> -> memref<10000x128xf32, #tpu.memory_space<hbm>>
    tpu.enqueue_indirect_dma source(%dma_start3A_251 : memref<10000x128xf32, #tpu.memory_space<hbm>>) target(%dma_start3A_245 : memref<128x128xf32, #tpu.memory_space<vmem>>) offsets(%dma_start3A_248 : memref<128xi32, #tpu.memory_space<vmem>>) semaphore(%arg10 : memref<!tpu.dma_semaphore, #tpu.memory_space<semaphore_mem>>)
    %add3A_252 = arith.constant 5 : i32
    %add3A_253 = arith.addi %mul3A_2, %add3A_252 : i32
    %dma_start3A_254 = arith.constant 1 : i32
    %dma_start3A_255 = arith.constant 0 : i32
    %dma_start3A_256 = arith.constant 0 : i32
    %dma_start3A_257 = tpu.memref_slice %arg5[%dma_start3A_254, %dma_start3A_255, %dma_start3A_256] : memref<4x1x128xi32, #tpu.memory_space<vmem>> -> memref<1x1x128xi32, #tpu.memory_space<vmem>>
    %dma_start3A_258 = tpu.memref_squeeze %dma_start3A_257 : memref<1x1x128xi32, #tpu.memory_space<vmem>> -> memref<1x128xi32, #tpu.memory_space<vmem>>
    %dma_start3A_259 = arith.constant 0 : i32
    %dma_start3A_260 = tpu.memref_slice %arg2[%add3A_253, %dma_start3A_259] : memref<25600x128xi32, #tpu.memory_space<hbm>> -> memref<1x128xi32, #tpu.memory_space<hbm>>
    %dma_start3A_261 = arith.constant 0 : i32
    %dma_start3A_262 = arith.constant 0 : i32
    %dma_start3A_263 = tpu.memref_slice %arg5[%dma_start3A_254, %dma_start3A_261, %dma_start3A_262] : memref<4x1x128xi32, #tpu.memory_space<vmem>> -> memref<1x1x128xi32, #tpu.memory_space<vmem>>
    %dma_start3A_264 = tpu.memref_squeeze %dma_start3A_263 : memref<1x1x128xi32, #tpu.memory_space<vmem>> -> memref<1x128xi32, #tpu.memory_space<vmem>>
    %dma_start3A_265 = arith.constant 0 : i32
    %dma_start3A_266 = tpu.memref_slice %arg2[%add3A_253, %dma_start3A_265] : memref<25600x128xi32, #tpu.memory_space<hbm>> -> memref<1x128xi32, #tpu.memory_space<hbm>>
    tpu.enqueue_dma source(%dma_start3A_266 : memref<1x128xi32, #tpu.memory_space<hbm>>) target(%dma_start3A_264 : memref<1x128xi32, #tpu.memory_space<vmem>>) target_semaphore(%arg16 : memref<!tpu.dma_semaphore, #tpu.memory_space<semaphore_mem>>)
    %dma_wait3A_267 = arith.constant 2 : i32
    %dma_wait3A_268 = arith.constant 0 : i32
    %dma_wait3A_269 = arith.constant 0 : i32
    %dma_wait3A_270 = tpu.memref_slice %arg6[%dma_wait3A_267, %dma_wait3A_268, %dma_wait3A_269] : memref<4x128x128xf32, #tpu.memory_space<vmem>> -> memref<1x128x128xf32, #tpu.memory_space<vmem>>
    %dma_wait3A_271 = tpu.memref_squeeze %dma_wait3A_270 : memref<1x128x128xf32, #tpu.memory_space<vmem>> -> memref<128x128xf32, #tpu.memory_space<vmem>>
    %dma_wait3A_272 = arith.constant 0 : i32
    %dma_wait3A_273 = arith.constant 0 : i32
    %dma_wait3A_274 = tpu.memref_slice %arg3[%dma_wait3A_272, %dma_wait3A_273] : memref<10000x128xf32, #tpu.memory_space<hbm>> -> memref<128x128xf32, #tpu.memory_space<hbm>>
    %dma_wait3A_275 = arith.constant 0 : i32
    %dma_wait3A_276 = arith.constant 0 : i32
    %dma_wait3A_277 = tpu.memref_slice %arg6[%dma_wait3A_267, %dma_wait3A_275, %dma_wait3A_276] : memref<4x128x128xf32, #tpu.memory_space<vmem>> -> memref<1x128x128xf32, #tpu.memory_space<vmem>>
    %dma_wait3A_278 = tpu.memref_squeeze %dma_wait3A_277 : memref<1x128x128xf32, #tpu.memory_space<vmem>> -> memref<128x128xf32, #tpu.memory_space<vmem>>
    %dma_wait3A_279 = arith.constant 0 : i32
    %dma_wait3A_280 = arith.constant 0 : i32
    %dma_wait3A_281 = tpu.memref_slice %arg3[%dma_wait3A_279, %dma_wait3A_280] : memref<10000x128xf32, #tpu.memory_space<hbm>> -> memref<128x128xf32, #tpu.memory_space<hbm>>
    tpu.wait_dma2 semaphore(%arg9 : memref<!tpu.dma_semaphore, #tpu.memory_space<semaphore_mem>>) src(%dma_wait3A_281 : memref<128x128xf32, #tpu.memory_space<hbm>>) dst(%dma_wait3A_278 : memref<128x128xf32, #tpu.memory_space<vmem>>)
    %add3A_282 = arith.constant 2 : i32
    %add3A_283 = arith.addi %mul3A_2, %add3A_282 : i32
    %mul3A_284 = arith.constant 128 : i32
    %mul3A_285 = arith.muli %add3A_283, %mul3A_284 : i32
    %dma_start3A_286 = arith.constant 2 : i32
    %dma_start3A_287 = arith.constant 0 : i32
    %dma_start3A_288 = arith.constant 0 : i32
    %dma_start3A_289 = tpu.memref_slice %arg6[%dma_start3A_286, %dma_start3A_287, %dma_start3A_288] : memref<4x128x128xf32, #tpu.memory_space<vmem>> -> memref<1x128x128xf32, #tpu.memory_space<vmem>>
    %dma_start3A_290 = tpu.memref_squeeze %dma_start3A_289 : memref<1x128x128xf32, #tpu.memory_space<vmem>> -> memref<128x128xf32, #tpu.memory_space<vmem>>
    %dma_start3A_291 = arith.constant 0 : i32
    %dma_start3A_292 = tpu.memref_slice %arg4[%mul3A_285, %dma_start3A_291] : memref<3276800x128xf32, #tpu.memory_space<hbm>> -> memref<128x128xf32, #tpu.memory_space<hbm>>
    %dma_start3A_293 = arith.constant 0 : i32
    %dma_start3A_294 = tpu.memref_slice %arg4[%mul3A_285, %dma_start3A_293] : memref<3276800x128xf32, #tpu.memory_space<hbm>> -> memref<128x128xf32, #tpu.memory_space<hbm>>
    %dma_start3A_295 = arith.constant 0 : i32
    %dma_start3A_296 = arith.constant 0 : i32
    %dma_start3A_297 = tpu.memref_slice %arg6[%dma_start3A_286, %dma_start3A_295, %dma_start3A_296] : memref<4x128x128xf32, #tpu.memory_space<vmem>> -> memref<1x128x128xf32, #tpu.memory_space<vmem>>
    %dma_start3A_298 = tpu.memref_squeeze %dma_start3A_297 : memref<1x128x128xf32, #tpu.memory_space<vmem>> -> memref<128x128xf32, #tpu.memory_space<vmem>>
    tpu.enqueue_dma source(%dma_start3A_298 : memref<128x128xf32, #tpu.memory_space<vmem>>) target(%dma_start3A_294 : memref<128x128xf32, #tpu.memory_space<hbm>>) target_semaphore(%arg13 : memref<!tpu.dma_semaphore, #tpu.memory_space<semaphore_mem>>)
    %dma_wait3A_299 = arith.constant 0 : i32
    %dma_wait3A_300 = arith.constant 0 : i32
    %dma_wait3A_301 = arith.constant 0 : i32
    %dma_wait3A_302 = tpu.memref_slice %arg6[%dma_wait3A_299, %dma_wait3A_300, %dma_wait3A_301] : memref<4x128x128xf32, #tpu.memory_space<vmem>> -> memref<1x128x128xf32, #tpu.memory_space<vmem>>
    %dma_wait3A_303 = tpu.memref_squeeze %dma_wait3A_302 : memref<1x128x128xf32, #tpu.memory_space<vmem>> -> memref<128x128xf32, #tpu.memory_space<vmem>>
    %dma_wait3A_304 = arith.constant 0 : i32
    %dma_wait3A_305 = arith.constant 0 : i32
    %dma_wait3A_306 = tpu.memref_slice %arg4[%dma_wait3A_304, %dma_wait3A_305] : memref<3276800x128xf32, #tpu.memory_space<hbm>> -> memref<128x128xf32, #tpu.memory_space<hbm>>
    %dma_wait3A_307 = arith.constant 0 : i32
    %dma_wait3A_308 = arith.constant 0 : i32
    %dma_wait3A_309 = tpu.memref_slice %arg4[%dma_wait3A_307, %dma_wait3A_308] : memref<3276800x128xf32, #tpu.memory_space<hbm>> -> memref<128x128xf32, #tpu.memory_space<hbm>>
    %dma_wait3A_310 = arith.constant 0 : i32
    %dma_wait3A_311 = arith.constant 0 : i32
    %dma_wait3A_312 = tpu.memref_slice %arg6[%dma_wait3A_299, %dma_wait3A_310, %dma_wait3A_311] : memref<4x128x128xf32, #tpu.memory_space<vmem>> -> memref<1x128x128xf32, #tpu.memory_space<vmem>>
    %dma_wait3A_313 = tpu.memref_squeeze %dma_wait3A_312 : memref<1x128x128xf32, #tpu.memory_space<vmem>> -> memref<128x128xf32, #tpu.memory_space<vmem>>
    tpu.wait_dma2 semaphore(%arg11 : memref<!tpu.dma_semaphore, #tpu.memory_space<semaphore_mem>>) src(%dma_wait3A_313 : memref<128x128xf32, #tpu.memory_space<vmem>>) dst(%dma_wait3A_309 : memref<128x128xf32, #tpu.memory_space<hbm>>)
    %dma_wait3A_314 = arith.constant 0 : i32
    %dma_wait3A_315 = arith.constant 0 : i32
    %dma_wait3A_316 = arith.constant 0 : i32
    %dma_wait3A_317 = tpu.memref_slice %arg5[%dma_wait3A_314, %dma_wait3A_315, %dma_wait3A_316] : memref<4x1x128xi32, #tpu.memory_space<vmem>> -> memref<1x1x128xi32, #tpu.memory_space<vmem>>
    %dma_wait3A_318 = tpu.memref_squeeze %dma_wait3A_317 : memref<1x1x128xi32, #tpu.memory_space<vmem>> -> memref<1x128xi32, #tpu.memory_space<vmem>>
    %dma_wait3A_319 = arith.constant 0 : i32
    %dma_wait3A_320 = arith.constant 0 : i32
    %dma_wait3A_321 = tpu.memref_slice %arg2[%dma_wait3A_319, %dma_wait3A_320] : memref<25600x128xi32, #tpu.memory_space<hbm>> -> memref<1x128xi32, #tpu.memory_space<hbm>>
    %dma_wait3A_322 = arith.constant 0 : i32
    %dma_wait3A_323 = arith.constant 0 : i32
    %dma_wait3A_324 = tpu.memref_slice %arg5[%dma_wait3A_314, %dma_wait3A_322, %dma_wait3A_323] : memref<4x1x128xi32, #tpu.memory_space<vmem>> -> memref<1x1x128xi32, #tpu.memory_space<vmem>>
    %dma_wait3A_325 = tpu.memref_squeeze %dma_wait3A_324 : memref<1x1x128xi32, #tpu.memory_space<vmem>> -> memref<1x128xi32, #tpu.memory_space<vmem>>
    %dma_wait3A_326 = arith.constant 0 : i32
    %dma_wait3A_327 = arith.constant 0 : i32
    %dma_wait3A_328 = tpu.memref_slice %arg2[%dma_wait3A_326, %dma_wait3A_327] : memref<25600x128xi32, #tpu.memory_space<hbm>> -> memref<1x128xi32, #tpu.memory_space<hbm>>
    tpu.wait_dma2 semaphore(%arg15 : memref<!tpu.dma_semaphore, #tpu.memory_space<semaphore_mem>>) src(%dma_wait3A_328 : memref<1x128xi32, #tpu.memory_space<hbm>>) dst(%dma_wait3A_325 : memref<1x128xi32, #tpu.memory_space<vmem>>)
    %dma_start3A_329 = arith.constant 0 : i32
    %dma_start3A_330 = arith.constant 0 : i32
    %dma_start3A_331 = arith.constant 0 : i32
    %dma_start3A_332 = arith.constant 0 : i32
    %dma_start3A_333 = arith.constant 0 : i32
    %dma_start3A_334 = tpu.memref_slice %arg6[%dma_start3A_331, %dma_start3A_332, %dma_start3A_333] : memref<4x128x128xf32, #tpu.memory_space<vmem>> -> memref<1x128x128xf32, #tpu.memory_space<vmem>>
    %dma_start3A_335 = tpu.memref_squeeze %dma_start3A_334 : memref<1x128x128xf32, #tpu.memory_space<vmem>> -> memref<128x128xf32, #tpu.memory_space<vmem>>
    %dma_start3A_336 = arith.constant 0 : i32
    %dma_start3A_337 = tpu.memref_slice %arg5[%dma_start3A_329, %dma_start3A_330, %dma_start3A_336] : memref<4x1x128xi32, #tpu.memory_space<vmem>> -> memref<1x1x128xi32, #tpu.memory_space<vmem>>
    %dma_start3A_338 = tpu.memref_squeeze %dma_start3A_337 : memref<1x1x128xi32, #tpu.memory_space<vmem>> -> memref<128xi32, #tpu.memory_space<vmem>>
    %dma_start3A_339 = arith.constant 0 : i32
    %dma_start3A_340 = arith.constant 0 : i32
    %dma_start3A_341 = tpu.memref_slice %arg3[%dma_start3A_339, %dma_start3A_340] : memref<10000x128xf32, #tpu.memory_space<hbm>> -> memref<10000x128xf32, #tpu.memory_space<hbm>>
    tpu.enqueue_indirect_dma source(%dma_start3A_341 : memref<10000x128xf32, #tpu.memory_space<hbm>>) target(%dma_start3A_335 : memref<128x128xf32, #tpu.memory_space<vmem>>) offsets(%dma_start3A_338 : memref<128xi32, #tpu.memory_space<vmem>>) semaphore(%arg7 : memref<!tpu.dma_semaphore, #tpu.memory_space<semaphore_mem>>)
    %add3A_342 = arith.constant 6 : i32
    %add3A_343 = arith.addi %mul3A_2, %add3A_342 : i32
    %dma_start3A_344 = arith.constant 2 : i32
    %dma_start3A_345 = arith.constant 0 : i32
    %dma_start3A_346 = arith.constant 0 : i32
    %dma_start3A_347 = tpu.memref_slice %arg5[%dma_start3A_344, %dma_start3A_345, %dma_start3A_346] : memref<4x1x128xi32, #tpu.memory_space<vmem>> -> memref<1x1x128xi32, #tpu.memory_space<vmem>>
    %dma_start3A_348 = tpu.memref_squeeze %dma_start3A_347 : memref<1x1x128xi32, #tpu.memory_space<vmem>> -> memref<1x128xi32, #tpu.memory_space<vmem>>
    %dma_start3A_349 = arith.constant 0 : i32
    %dma_start3A_350 = tpu.memref_slice %arg2[%add3A_343, %dma_start3A_349] : memref<25600x128xi32, #tpu.memory_space<hbm>> -> memref<1x128xi32, #tpu.memory_space<hbm>>
    %dma_start3A_351 = arith.constant 0 : i32
    %dma_start3A_352 = arith.constant 0 : i32
    %dma_start3A_353 = tpu.memref_slice %arg5[%dma_start3A_344, %dma_start3A_351, %dma_start3A_352] : memref<4x1x128xi32, #tpu.memory_space<vmem>> -> memref<1x1x128xi32, #tpu.memory_space<vmem>>
    %dma_start3A_354 = tpu.memref_squeeze %dma_start3A_353 : memref<1x1x128xi32, #tpu.memory_space<vmem>> -> memref<1x128xi32, #tpu.memory_space<vmem>>
    %dma_start3A_355 = arith.constant 0 : i32
    %dma_start3A_356 = tpu.memref_slice %arg2[%add3A_343, %dma_start3A_355] : memref<25600x128xi32, #tpu.memory_space<hbm>> -> memref<1x128xi32, #tpu.memory_space<hbm>>
    tpu.enqueue_dma source(%dma_start3A_356 : memref<1x128xi32, #tpu.memory_space<hbm>>) target(%dma_start3A_354 : memref<1x128xi32, #tpu.memory_space<vmem>>) target_semaphore(%arg17 : memref<!tpu.dma_semaphore, #tpu.memory_space<semaphore_mem>>)
    %dma_wait3A_357 = arith.constant 3 : i32
    %dma_wait3A_358 = arith.constant 0 : i32
    %dma_wait3A_359 = arith.constant 0 : i32
    %dma_wait3A_360 = tpu.memref_slice %arg6[%dma_wait3A_357, %dma_wait3A_358, %dma_wait3A_359] : memref<4x128x128xf32, #tpu.memory_space<vmem>> -> memref<1x128x128xf32, #tpu.memory_space<vmem>>
    %dma_wait3A_361 = tpu.memref_squeeze %dma_wait3A_360 : memref<1x128x128xf32, #tpu.memory_space<vmem>> -> memref<128x128xf32, #tpu.memory_space<vmem>>
    %dma_wait3A_362 = arith.constant 0 : i32
    %dma_wait3A_363 = arith.constant 0 : i32
    %dma_wait3A_364 = tpu.memref_slice %arg3[%dma_wait3A_362, %dma_wait3A_363] : memref<10000x128xf32, #tpu.memory_space<hbm>> -> memref<128x128xf32, #tpu.memory_space<hbm>>
    %dma_wait3A_365 = arith.constant 0 : i32
    %dma_wait3A_366 = arith.constant 0 : i32
    %dma_wait3A_367 = tpu.memref_slice %arg6[%dma_wait3A_357, %dma_wait3A_365, %dma_wait3A_366] : memref<4x128x128xf32, #tpu.memory_space<vmem>> -> memref<1x128x128xf32, #tpu.memory_space<vmem>>
    %dma_wait3A_368 = tpu.memref_squeeze %dma_wait3A_367 : memref<1x128x128xf32, #tpu.memory_space<vmem>> -> memref<128x128xf32, #tpu.memory_space<vmem>>
    %dma_wait3A_369 = arith.constant 0 : i32
    %dma_wait3A_370 = arith.constant 0 : i32
    %dma_wait3A_371 = tpu.memref_slice %arg3[%dma_wait3A_369, %dma_wait3A_370] : memref<10000x128xf32, #tpu.memory_space<hbm>> -> memref<128x128xf32, #tpu.memory_space<hbm>>
    tpu.wait_dma2 semaphore(%arg10 : memref<!tpu.dma_semaphore, #tpu.memory_space<semaphore_mem>>) src(%dma_wait3A_371 : memref<128x128xf32, #tpu.memory_space<hbm>>) dst(%dma_wait3A_368 : memref<128x128xf32, #tpu.memory_space<vmem>>)
    %add3A_372 = arith.constant 3 : i32
    %add3A_373 = arith.addi %mul3A_2, %add3A_372 : i32
    %mul3A_374 = arith.constant 128 : i32
    %mul3A_375 = arith.muli %add3A_373, %mul3A_374 : i32
    %dma_start3A_376 = arith.constant 3 : i32
    %dma_start3A_377 = arith.constant 0 : i32
    %dma_start3A_378 = arith.constant 0 : i32
    %dma_start3A_379 = tpu.memref_slice %arg6[%dma_start3A_376, %dma_start3A_377, %dma_start3A_378] : memref<4x128x128xf32, #tpu.memory_space<vmem>> -> memref<1x128x128xf32, #tpu.memory_space<vmem>>
    %dma_start3A_380 = tpu.memref_squeeze %dma_start3A_379 : memref<1x128x128xf32, #tpu.memory_space<vmem>> -> memref<128x128xf32, #tpu.memory_space<vmem>>
    %dma_start3A_381 = arith.constant 0 : i32
    %dma_start3A_382 = tpu.memref_slice %arg4[%mul3A_375, %dma_start3A_381] : memref<3276800x128xf32, #tpu.memory_space<hbm>> -> memref<128x128xf32, #tpu.memory_space<hbm>>
    %dma_start3A_383 = arith.constant 0 : i32
    %dma_start3A_384 = tpu.memref_slice %arg4[%mul3A_375, %dma_start3A_383] : memref<3276800x128xf32, #tpu.memory_space<hbm>> -> memref<128x128xf32, #tpu.memory_space<hbm>>
    %dma_start3A_385 = arith.constant 0 : i32
    %dma_start3A_386 = arith.constant 0 : i32
    %dma_start3A_387 = tpu.memref_slice %arg6[%dma_start3A_376, %dma_start3A_385, %dma_start3A_386] : memref<4x128x128xf32, #tpu.memory_space<vmem>> -> memref<1x128x128xf32, #tpu.memory_space<vmem>>
    %dma_start3A_388 = tpu.memref_squeeze %dma_start3A_387 : memref<1x128x128xf32, #tpu.memory_space<vmem>> -> memref<128x128xf32, #tpu.memory_space<vmem>>
    tpu.enqueue_dma source(%dma_start3A_388 : memref<128x128xf32, #tpu.memory_space<vmem>>) target(%dma_start3A_384 : memref<128x128xf32, #tpu.memory_space<hbm>>) target_semaphore(%arg14 : memref<!tpu.dma_semaphore, #tpu.memory_space<semaphore_mem>>)
    %dma_wait3A_389 = arith.constant 1 : i32
    %dma_wait3A_390 = arith.constant 0 : i32
    %dma_wait3A_391 = arith.constant 0 : i32
    %dma_wait3A_392 = tpu.memref_slice %arg6[%dma_wait3A_389, %dma_wait3A_390, %dma_wait3A_391] : memref<4x128x128xf32, #tpu.memory_space<vmem>> -> memref<1x128x128xf32, #tpu.memory_space<vmem>>
    %dma_wait3A_393 = tpu.memref_squeeze %dma_wait3A_392 : memref<1x128x128xf32, #tpu.memory_space<vmem>> -> memref<128x128xf32, #tpu.memory_space<vmem>>
    %dma_wait3A_394 = arith.constant 0 : i32
    %dma_wait3A_395 = arith.constant 0 : i32
    %dma_wait3A_396 = tpu.memref_slice %arg4[%dma_wait3A_394, %dma_wait3A_395] : memref<3276800x128xf32, #tpu.memory_space<hbm>> -> memref<128x128xf32, #tpu.memory_space<hbm>>
    %dma_wait3A_397 = arith.constant 0 : i32
    %dma_wait3A_398 = arith.constant 0 : i32
    %dma_wait3A_399 = tpu.memref_slice %arg4[%dma_wait3A_397, %dma_wait3A_398] : memref<3276800x128xf32, #tpu.memory_space<hbm>> -> memref<128x128xf32, #tpu.memory_space<hbm>>
    %dma_wait3A_400 = arith.constant 0 : i32
    %dma_wait3A_401 = arith.constant 0 : i32
    %dma_wait3A_402 = tpu.memref_slice %arg6[%dma_wait3A_389, %dma_wait3A_400, %dma_wait3A_401] : memref<4x128x128xf32, #tpu.memory_space<vmem>> -> memref<1x128x128xf32, #tpu.memory_space<vmem>>
    %dma_wait3A_403 = tpu.memref_squeeze %dma_wait3A_402 : memref<1x128x128xf32, #tpu.memory_space<vmem>> -> memref<128x128xf32, #tpu.memory_space<vmem>>
    tpu.wait_dma2 semaphore(%arg12 : memref<!tpu.dma_semaphore, #tpu.memory_space<semaphore_mem>>) src(%dma_wait3A_403 : memref<128x128xf32, #tpu.memory_space<vmem>>) dst(%dma_wait3A_399 : memref<128x128xf32, #tpu.memory_space<hbm>>)
    %dma_wait3A_404 = arith.constant 1 : i32
    %dma_wait3A_405 = arith.constant 0 : i32
    %dma_wait3A_406 = arith.constant 0 : i32
    %dma_wait3A_407 = tpu.memref_slice %arg5[%dma_wait3A_404, %dma_wait3A_405, %dma_wait3A_406] : memref<4x1x128xi32, #tpu.memory_space<vmem>> -> memref<1x1x128xi32, #tpu.memory_space<vmem>>
    %dma_wait3A_408 = tpu.memref_squeeze %dma_wait3A_407 : memref<1x1x128xi32, #tpu.memory_space<vmem>> -> memref<1x128xi32, #tpu.memory_space<vmem>>
    %dma_wait3A_409 = arith.constant 0 : i32
    %dma_wait3A_410 = arith.constant 0 : i32
    %dma_wait3A_411 = tpu.memref_slice %arg2[%dma_wait3A_409, %dma_wait3A_410] : memref<25600x128xi32, #tpu.memory_space<hbm>> -> memref<1x128xi32, #tpu.memory_space<hbm>>
    %dma_wait3A_412 = arith.constant 0 : i32
    %dma_wait3A_413 = arith.constant 0 : i32
    %dma_wait3A_414 = tpu.memref_slice %arg5[%dma_wait3A_404, %dma_wait3A_412, %dma_wait3A_413] : memref<4x1x128xi32, #tpu.memory_space<vmem>> -> memref<1x1x128xi32, #tpu.memory_space<vmem>>
    %dma_wait3A_415 = tpu.memref_squeeze %dma_wait3A_414 : memref<1x1x128xi32, #tpu.memory_space<vmem>> -> memref<1x128xi32, #tpu.memory_space<vmem>>
    %dma_wait3A_416 = arith.constant 0 : i32
    %dma_wait3A_417 = arith.constant 0 : i32
    %dma_wait3A_418 = tpu.memref_slice %arg2[%dma_wait3A_416, %dma_wait3A_417] : memref<25600x128xi32, #tpu.memory_space<hbm>> -> memref<1x128xi32, #tpu.memory_space<hbm>>
    tpu.wait_dma2 semaphore(%arg16 : memref<!tpu.dma_semaphore, #tpu.memory_space<semaphore_mem>>) src(%dma_wait3A_418 : memref<1x128xi32, #tpu.memory_space<hbm>>) dst(%dma_wait3A_415 : memref<1x128xi32, #tpu.memory_space<vmem>>)
    %dma_start3A_419 = arith.constant 1 : i32
    %dma_start3A_420 = arith.constant 0 : i32
    %dma_start3A_421 = arith.constant 1 : i32
    %dma_start3A_422 = arith.constant 0 : i32
    %dma_start3A_423 = arith.constant 0 : i32
    %dma_start3A_424 = tpu.memref_slice %arg6[%dma_start3A_421, %dma_start3A_422, %dma_start3A_423] : memref<4x128x128xf32, #tpu.memory_space<vmem>> -> memref<1x128x128xf32, #tpu.memory_space<vmem>>
    %dma_start3A_425 = tpu.memref_squeeze %dma_start3A_424 : memref<1x128x128xf32, #tpu.memory_space<vmem>> -> memref<128x128xf32, #tpu.memory_space<vmem>>
    %dma_start3A_426 = arith.constant 0 : i32
    %dma_start3A_427 = tpu.memref_slice %arg5[%dma_start3A_419, %dma_start3A_420, %dma_start3A_426] : memref<4x1x128xi32, #tpu.memory_space<vmem>> -> memref<1x1x128xi32, #tpu.memory_space<vmem>>
    %dma_start3A_428 = tpu.memref_squeeze %dma_start3A_427 : memref<1x1x128xi32, #tpu.memory_space<vmem>> -> memref<128xi32, #tpu.memory_space<vmem>>
    %dma_start3A_429 = arith.constant 0 : i32
    %dma_start3A_430 = arith.constant 0 : i32
    %dma_start3A_431 = tpu.memref_slice %arg3[%dma_start3A_429, %dma_start3A_430] : memref<10000x128xf32, #tpu.memory_space<hbm>> -> memref<10000x128xf32, #tpu.memory_space<hbm>>
    tpu.enqueue_indirect_dma source(%dma_start3A_431 : memref<10000x128xf32, #tpu.memory_space<hbm>>) target(%dma_start3A_425 : memref<128x128xf32, #tpu.memory_space<vmem>>) offsets(%dma_start3A_428 : memref<128xi32, #tpu.memory_space<vmem>>) semaphore(%arg8 : memref<!tpu.dma_semaphore, #tpu.memory_space<semaphore_mem>>)
    %add3A_432 = arith.constant 7 : i32
    %add3A_433 = arith.addi %mul3A_2, %add3A_432 : i32
    %dma_start3A_434 = arith.constant 3 : i32
    %dma_start3A_435 = arith.constant 0 : i32
    %dma_start3A_436 = arith.constant 0 : i32
    %dma_start3A_437 = tpu.memref_slice %arg5[%dma_start3A_434, %dma_start3A_435, %dma_start3A_436] : memref<4x1x128xi32, #tpu.memory_space<vmem>> -> memref<1x1x128xi32, #tpu.memory_space<vmem>>
    %dma_start3A_438 = tpu.memref_squeeze %dma_start3A_437 : memref<1x1x128xi32, #tpu.memory_space<vmem>> -> memref<1x128xi32, #tpu.memory_space<vmem>>
    %dma_start3A_439 = arith.constant 0 : i32
    %dma_start3A_440 = tpu.memref_slice %arg2[%add3A_433, %dma_start3A_439] : memref<25600x128xi32, #tpu.memory_space<hbm>> -> memref<1x128xi32, #tpu.memory_space<hbm>>
    %dma_start3A_441 = arith.constant 0 : i32
    %dma_start3A_442 = arith.constant 0 : i32
    %dma_start3A_443 = tpu.memref_slice %arg5[%dma_start3A_434, %dma_start3A_441, %dma_start3A_442] : memref<4x1x128xi32, #tpu.memory_space<vmem>> -> memref<1x1x128xi32, #tpu.memory_space<vmem>>
    %dma_start3A_444 = tpu.memref_squeeze %dma_start3A_443 : memref<1x1x128xi32, #tpu.memory_space<vmem>> -> memref<1x128xi32, #tpu.memory_space<vmem>>
    %dma_start3A_445 = arith.constant 0 : i32
    %dma_start3A_446 = tpu.memref_slice %arg2[%add3A_433, %dma_start3A_445] : memref<25600x128xi32, #tpu.memory_space<hbm>> -> memref<1x128xi32, #tpu.memory_space<hbm>>
    tpu.enqueue_dma source(%dma_start3A_446 : memref<1x128xi32, #tpu.memory_space<hbm>>) target(%dma_start3A_444 : memref<1x128xi32, #tpu.memory_space<vmem>>) target_semaphore(%arg18 : memref<!tpu.dma_semaphore, #tpu.memory_space<semaphore_mem>>)
    %scan3A = arith.constant 0 : i32
    %scan3A_447 = arith.constant 1 : i32
    %scan3A_448 = arith.constant 198 : i32
    %scan3A_449 = arith.addi %scan3A_447, %scan3A_448 : i32
    %scan3A_450 = arith.constant 1 : i32
    scf.for %scan3A_726 = %scan3A_447 to %scan3A_449 step %scan3A_450  : i32 {
      %mul3A_727 = arith.constant 4 : i32
      %mul3A_728 = arith.muli %mul3A_727, %scan3A_726 : i32
      %add3A_729 = arith.constant 0 : i32
      %add3A_730 = arith.addi %mul3A_728, %add3A_729 : i32
      %dma_wait3A_731 = arith.constant 0 : i32
      %dma_wait3A_732 = arith.constant 0 : i32
      %dma_wait3A_733 = arith.constant 0 : i32
      %dma_wait3A_734 = tpu.memref_slice %arg6[%dma_wait3A_731, %dma_wait3A_732, %dma_wait3A_733] : memref<4x128x128xf32, #tpu.memory_space<vmem>> -> memref<1x128x128xf32, #tpu.memory_space<vmem>>
      %dma_wait3A_735 = tpu.memref_squeeze %dma_wait3A_734 : memref<1x128x128xf32, #tpu.memory_space<vmem>> -> memref<128x128xf32, #tpu.memory_space<vmem>>
      %dma_wait3A_736 = arith.constant 0 : i32
      %dma_wait3A_737 = arith.constant 0 : i32
      %dma_wait3A_738 = tpu.memref_slice %arg3[%dma_wait3A_736, %dma_wait3A_737] : memref<10000x128xf32, #tpu.memory_space<hbm>> -> memref<128x128xf32, #tpu.memory_space<hbm>>
      %dma_wait3A_739 = arith.constant 0 : i32
      %dma_wait3A_740 = arith.constant 0 : i32
      %dma_wait3A_741 = tpu.memref_slice %arg6[%dma_wait3A_731, %dma_wait3A_739, %dma_wait3A_740] : memref<4x128x128xf32, #tpu.memory_space<vmem>> -> memref<1x128x128xf32, #tpu.memory_space<vmem>>
      %dma_wait3A_742 = tpu.memref_squeeze %dma_wait3A_741 : memref<1x128x128xf32, #tpu.memory_space<vmem>> -> memref<128x128xf32, #tpu.memory_space<vmem>>
      %dma_wait3A_743 = arith.constant 0 : i32
      %dma_wait3A_744 = arith.constant 0 : i32
      %dma_wait3A_745 = tpu.memref_slice %arg3[%dma_wait3A_743, %dma_wait3A_744] : memref<10000x128xf32, #tpu.memory_space<hbm>> -> memref<128x128xf32, #tpu.memory_space<hbm>>
      tpu.wait_dma2 semaphore(%arg7 : memref<!tpu.dma_semaphore, #tpu.memory_space<semaphore_mem>>) src(%dma_wait3A_745 : memref<128x128xf32, #tpu.memory_space<hbm>>) dst(%dma_wait3A_742 : memref<128x128xf32, #tpu.memory_space<vmem>>)
      %add3A_746 = arith.addi %mul3A_2, %add3A_730 : i32
      %mul3A_747 = arith.constant 128 : i32
      %mul3A_748 = arith.muli %add3A_746, %mul3A_747 : i32
      %dma_start3A_749 = arith.constant 0 : i32
      %dma_start3A_750 = arith.constant 0 : i32
      %dma_start3A_751 = arith.constant 0 : i32
      %dma_start3A_752 = tpu.memref_slice %arg6[%dma_start3A_749, %dma_start3A_750, %dma_start3A_751] : memref<4x128x128xf32, #tpu.memory_space<vmem>> -> memref<1x128x128xf32, #tpu.memory_space<vmem>>
      %dma_start3A_753 = tpu.memref_squeeze %dma_start3A_752 : memref<1x128x128xf32, #tpu.memory_space<vmem>> -> memref<128x128xf32, #tpu.memory_space<vmem>>
      %dma_start3A_754 = arith.constant 0 : i32
      %dma_start3A_755 = tpu.memref_slice %arg4[%mul3A_748, %dma_start3A_754] : memref<3276800x128xf32, #tpu.memory_space<hbm>> -> memref<128x128xf32, #tpu.memory_space<hbm>>
      %dma_start3A_756 = arith.constant 0 : i32
      %dma_start3A_757 = tpu.memref_slice %arg4[%mul3A_748, %dma_start3A_756] : memref<3276800x128xf32, #tpu.memory_space<hbm>> -> memref<128x128xf32, #tpu.memory_space<hbm>>
      %dma_start3A_758 = arith.constant 0 : i32
      %dma_start3A_759 = arith.constant 0 : i32
      %dma_start3A_760 = tpu.memref_slice %arg6[%dma_start3A_749, %dma_start3A_758, %dma_start3A_759] : memref<4x128x128xf32, #tpu.memory_space<vmem>> -> memref<1x128x128xf32, #tpu.memory_space<vmem>>
      %dma_start3A_761 = tpu.memref_squeeze %dma_start3A_760 : memref<1x128x128xf32, #tpu.memory_space<vmem>> -> memref<128x128xf32, #tpu.memory_space<vmem>>
      tpu.enqueue_dma source(%dma_start3A_761 : memref<128x128xf32, #tpu.memory_space<vmem>>) target(%dma_start3A_757 : memref<128x128xf32, #tpu.memory_space<hbm>>) target_semaphore(%arg11 : memref<!tpu.dma_semaphore, #tpu.memory_space<semaphore_mem>>)
      %dma_wait3A_762 = arith.constant 2 : i32
      %dma_wait3A_763 = arith.constant 0 : i32
      %dma_wait3A_764 = arith.constant 0 : i32
      %dma_wait3A_765 = tpu.memref_slice %arg6[%dma_wait3A_762, %dma_wait3A_763, %dma_wait3A_764] : memref<4x128x128xf32, #tpu.memory_space<vmem>> -> memref<1x128x128xf32, #tpu.memory_space<vmem>>
      %dma_wait3A_766 = tpu.memref_squeeze %dma_wait3A_765 : memref<1x128x128xf32, #tpu.memory_space<vmem>> -> memref<128x128xf32, #tpu.memory_space<vmem>>
      %dma_wait3A_767 = arith.constant 0 : i32
      %dma_wait3A_768 = arith.constant 0 : i32
      %dma_wait3A_769 = tpu.memref_slice %arg4[%dma_wait3A_767, %dma_wait3A_768] : memref<3276800x128xf32, #tpu.memory_space<hbm>> -> memref<128x128xf32, #tpu.memory_space<hbm>>
      %dma_wait3A_770 = arith.constant 0 : i32
      %dma_wait3A_771 = arith.constant 0 : i32
      %dma_wait3A_772 = tpu.memref_slice %arg4[%dma_wait3A_770, %dma_wait3A_771] : memref<3276800x128xf32, #tpu.memory_space<hbm>> -> memref<128x128xf32, #tpu.memory_space<hbm>>
      %dma_wait3A_773 = arith.constant 0 : i32
      %dma_wait3A_774 = arith.constant 0 : i32
      %dma_wait3A_775 = tpu.memref_slice %arg6[%dma_wait3A_762, %dma_wait3A_773, %dma_wait3A_774] : memref<4x128x128xf32, #tpu.memory_space<vmem>> -> memref<1x128x128xf32, #tpu.memory_space<vmem>>
      %dma_wait3A_776 = tpu.memref_squeeze %dma_wait3A_775 : memref<1x128x128xf32, #tpu.memory_space<vmem>> -> memref<128x128xf32, #tpu.memory_space<vmem>>
      tpu.wait_dma2 semaphore(%arg13 : memref<!tpu.dma_semaphore, #tpu.memory_space<semaphore_mem>>) src(%dma_wait3A_776 : memref<128x128xf32, #tpu.memory_space<vmem>>) dst(%dma_wait3A_772 : memref<128x128xf32, #tpu.memory_space<hbm>>)
      %dma_wait3A_777 = arith.constant 2 : i32
      %dma_wait3A_778 = arith.constant 0 : i32
      %dma_wait3A_779 = arith.constant 0 : i32
      %dma_wait3A_780 = tpu.memref_slice %arg5[%dma_wait3A_777, %dma_wait3A_778, %dma_wait3A_779] : memref<4x1x128xi32, #tpu.memory_space<vmem>> -> memref<1x1x128xi32, #tpu.memory_space<vmem>>
      %dma_wait3A_781 = tpu.memref_squeeze %dma_wait3A_780 : memref<1x1x128xi32, #tpu.memory_space<vmem>> -> memref<1x128xi32, #tpu.memory_space<vmem>>
      %dma_wait3A_782 = arith.constant 0 : i32
      %dma_wait3A_783 = arith.constant 0 : i32
      %dma_wait3A_784 = tpu.memref_slice %arg2[%dma_wait3A_782, %dma_wait3A_783] : memref<25600x128xi32, #tpu.memory_space<hbm>> -> memref<1x128xi32, #tpu.memory_space<hbm>>
      %dma_wait3A_785 = arith.constant 0 : i32
      %dma_wait3A_786 = arith.constant 0 : i32
      %dma_wait3A_787 = tpu.memref_slice %arg5[%dma_wait3A_777, %dma_wait3A_785, %dma_wait3A_786] : memref<4x1x128xi32, #tpu.memory_space<vmem>> -> memref<1x1x128xi32, #tpu.memory_space<vmem>>
      %dma_wait3A_788 = tpu.memref_squeeze %dma_wait3A_787 : memref<1x1x128xi32, #tpu.memory_space<vmem>> -> memref<1x128xi32, #tpu.memory_space<vmem>>
      %dma_wait3A_789 = arith.constant 0 : i32
      %dma_wait3A_790 = arith.constant 0 : i32
      %dma_wait3A_791 = tpu.memref_slice %arg2[%dma_wait3A_789, %dma_wait3A_790] : memref<25600x128xi32, #tpu.memory_space<hbm>> -> memref<1x128xi32, #tpu.memory_space<hbm>>
      tpu.wait_dma2 semaphore(%arg17 : memref<!tpu.dma_semaphore, #tpu.memory_space<semaphore_mem>>) src(%dma_wait3A_791 : memref<1x128xi32, #tpu.memory_space<hbm>>) dst(%dma_wait3A_788 : memref<1x128xi32, #tpu.memory_space<vmem>>)
      %add3A_792 = arith.constant 2 : i32
      %add3A_793 = arith.addi %add3A_730, %add3A_792 : i32
      %dma_start3A_794 = arith.constant 2 : i32
      %dma_start3A_795 = arith.constant 0 : i32
      %dma_start3A_796 = arith.constant 2 : i32
      %dma_start3A_797 = arith.constant 0 : i32
      %dma_start3A_798 = arith.constant 0 : i32
      %dma_start3A_799 = tpu.memref_slice %arg6[%dma_start3A_796, %dma_start3A_797, %dma_start3A_798] : memref<4x128x128xf32, #tpu.memory_space<vmem>> -> memref<1x128x128xf32, #tpu.memory_space<vmem>>
      %dma_start3A_800 = tpu.memref_squeeze %dma_start3A_799 : memref<1x128x128xf32, #tpu.memory_space<vmem>> -> memref<128x128xf32, #tpu.memory_space<vmem>>
      %dma_start3A_801 = arith.constant 0 : i32
      %dma_start3A_802 = tpu.memref_slice %arg5[%dma_start3A_794, %dma_start3A_795, %dma_start3A_801] : memref<4x1x128xi32, #tpu.memory_space<vmem>> -> memref<1x1x128xi32, #tpu.memory_space<vmem>>
      %dma_start3A_803 = tpu.memref_squeeze %dma_start3A_802 : memref<1x1x128xi32, #tpu.memory_space<vmem>> -> memref<128xi32, #tpu.memory_space<vmem>>
      %dma_start3A_804 = arith.constant 0 : i32
      %dma_start3A_805 = arith.constant 0 : i32
      %dma_start3A_806 = tpu.memref_slice %arg3[%dma_start3A_804, %dma_start3A_805] : memref<10000x128xf32, #tpu.memory_space<hbm>> -> memref<10000x128xf32, #tpu.memory_space<hbm>>
      tpu.enqueue_indirect_dma source(%dma_start3A_806 : memref<10000x128xf32, #tpu.memory_space<hbm>>) target(%dma_start3A_800 : memref<128x128xf32, #tpu.memory_space<vmem>>) offsets(%dma_start3A_803 : memref<128xi32, #tpu.memory_space<vmem>>) semaphore(%arg9 : memref<!tpu.dma_semaphore, #tpu.memory_space<semaphore_mem>>)
      %add3A_807 = arith.constant 4 : i32
      %add3A_808 = arith.addi %add3A_730, %add3A_807 : i32
      %add3A_809 = arith.addi %mul3A_2, %add3A_808 : i32
      %dma_start3A_810 = arith.constant 0 : i32
      %dma_start3A_811 = arith.constant 0 : i32
      %dma_start3A_812 = arith.constant 0 : i32
      %dma_start3A_813 = tpu.memref_slice %arg5[%dma_start3A_810, %dma_start3A_811, %dma_start3A_812] : memref<4x1x128xi32, #tpu.memory_space<vmem>> -> memref<1x1x128xi32, #tpu.memory_space<vmem>>
      %dma_start3A_814 = tpu.memref_squeeze %dma_start3A_813 : memref<1x1x128xi32, #tpu.memory_space<vmem>> -> memref<1x128xi32, #tpu.memory_space<vmem>>
      %dma_start3A_815 = arith.constant 0 : i32
      %dma_start3A_816 = tpu.memref_slice %arg2[%add3A_809, %dma_start3A_815] : memref<25600x128xi32, #tpu.memory_space<hbm>> -> memref<1x128xi32, #tpu.memory_space<hbm>>
      %dma_start3A_817 = arith.constant 0 : i32
      %dma_start3A_818 = arith.constant 0 : i32
      %dma_start3A_819 = tpu.memref_slice %arg5[%dma_start3A_810, %dma_start3A_817, %dma_start3A_818] : memref<4x1x128xi32, #tpu.memory_space<vmem>> -> memref<1x1x128xi32, #tpu.memory_space<vmem>>
      %dma_start3A_820 = tpu.memref_squeeze %dma_start3A_819 : memref<1x1x128xi32, #tpu.memory_space<vmem>> -> memref<1x128xi32, #tpu.memory_space<vmem>>
      %dma_start3A_821 = arith.constant 0 : i32
      %dma_start3A_822 = tpu.memref_slice %arg2[%add3A_809, %dma_start3A_821] : memref<25600x128xi32, #tpu.memory_space<hbm>> -> memref<1x128xi32, #tpu.memory_space<hbm>>
      tpu.enqueue_dma source(%dma_start3A_822 : memref<1x128xi32, #tpu.memory_space<hbm>>) target(%dma_start3A_820 : memref<1x128xi32, #tpu.memory_space<vmem>>) target_semaphore(%arg15 : memref<!tpu.dma_semaphore, #tpu.memory_space<semaphore_mem>>)
      %add3A_823 = arith.constant 1 : i32
      %add3A_824 = arith.addi %mul3A_728, %add3A_823 : i32
      %dma_wait3A_825 = arith.constant 1 : i32
      %dma_wait3A_826 = arith.constant 0 : i32
      %dma_wait3A_827 = arith.constant 0 : i32
      %dma_wait3A_828 = tpu.memref_slice %arg6[%dma_wait3A_825, %dma_wait3A_826, %dma_wait3A_827] : memref<4x128x128xf32, #tpu.memory_space<vmem>> -> memref<1x128x128xf32, #tpu.memory_space<vmem>>
      %dma_wait3A_829 = tpu.memref_squeeze %dma_wait3A_828 : memref<1x128x128xf32, #tpu.memory_space<vmem>> -> memref<128x128xf32, #tpu.memory_space<vmem>>
      %dma_wait3A_830 = arith.constant 0 : i32
      %dma_wait3A_831 = arith.constant 0 : i32
      %dma_wait3A_832 = tpu.memref_slice %arg3[%dma_wait3A_830, %dma_wait3A_831] : memref<10000x128xf32, #tpu.memory_space<hbm>> -> memref<128x128xf32, #tpu.memory_space<hbm>>
      %dma_wait3A_833 = arith.constant 0 : i32
      %dma_wait3A_834 = arith.constant 0 : i32
      %dma_wait3A_835 = tpu.memref_slice %arg6[%dma_wait3A_825, %dma_wait3A_833, %dma_wait3A_834] : memref<4x128x128xf32, #tpu.memory_space<vmem>> -> memref<1x128x128xf32, #tpu.memory_space<vmem>>
      %dma_wait3A_836 = tpu.memref_squeeze %dma_wait3A_835 : memref<1x128x128xf32, #tpu.memory_space<vmem>> -> memref<128x128xf32, #tpu.memory_space<vmem>>
      %dma_wait3A_837 = arith.constant 0 : i32
      %dma_wait3A_838 = arith.constant 0 : i32
      %dma_wait3A_839 = tpu.memref_slice %arg3[%dma_wait3A_837, %dma_wait3A_838] : memref<10000x128xf32, #tpu.memory_space<hbm>> -> memref<128x128xf32, #tpu.memory_space<hbm>>
      tpu.wait_dma2 semaphore(%arg8 : memref<!tpu.dma_semaphore, #tpu.memory_space<semaphore_mem>>) src(%dma_wait3A_839 : memref<128x128xf32, #tpu.memory_space<hbm>>) dst(%dma_wait3A_836 : memref<128x128xf32, #tpu.memory_space<vmem>>)
      %add3A_840 = arith.addi %mul3A_2, %add3A_824 : i32
      %mul3A_841 = arith.constant 128 : i32
      %mul3A_842 = arith.muli %add3A_840, %mul3A_841 : i32
      %dma_start3A_843 = arith.constant 1 : i32
      %dma_start3A_844 = arith.constant 0 : i32
      %dma_start3A_845 = arith.constant 0 : i32
      %dma_start3A_846 = tpu.memref_slice %arg6[%dma_start3A_843, %dma_start3A_844, %dma_start3A_845] : memref<4x128x128xf32, #tpu.memory_space<vmem>> -> memref<1x128x128xf32, #tpu.memory_space<vmem>>
      %dma_start3A_847 = tpu.memref_squeeze %dma_start3A_846 : memref<1x128x128xf32, #tpu.memory_space<vmem>> -> memref<128x128xf32, #tpu.memory_space<vmem>>
      %dma_start3A_848 = arith.constant 0 : i32
      %dma_start3A_849 = tpu.memref_slice %arg4[%mul3A_842, %dma_start3A_848] : memref<3276800x128xf32, #tpu.memory_space<hbm>> -> memref<128x128xf32, #tpu.memory_space<hbm>>
      %dma_start3A_850 = arith.constant 0 : i32
      %dma_start3A_851 = tpu.memref_slice %arg4[%mul3A_842, %dma_start3A_850] : memref<3276800x128xf32, #tpu.memory_space<hbm>> -> memref<128x128xf32, #tpu.memory_space<hbm>>
      %dma_start3A_852 = arith.constant 0 : i32
      %dma_start3A_853 = arith.constant 0 : i32
      %dma_start3A_854 = tpu.memref_slice %arg6[%dma_start3A_843, %dma_start3A_852, %dma_start3A_853] : memref<4x128x128xf32, #tpu.memory_space<vmem>> -> memref<1x128x128xf32, #tpu.memory_space<vmem>>
      %dma_start3A_855 = tpu.memref_squeeze %dma_start3A_854 : memref<1x128x128xf32, #tpu.memory_space<vmem>> -> memref<128x128xf32, #tpu.memory_space<vmem>>
      tpu.enqueue_dma source(%dma_start3A_855 : memref<128x128xf32, #tpu.memory_space<vmem>>) target(%dma_start3A_851 : memref<128x128xf32, #tpu.memory_space<hbm>>) target_semaphore(%arg12 : memref<!tpu.dma_semaphore, #tpu.memory_space<semaphore_mem>>)
      %dma_wait3A_856 = arith.constant 3 : i32
      %dma_wait3A_857 = arith.constant 0 : i32
      %dma_wait3A_858 = arith.constant 0 : i32
      %dma_wait3A_859 = tpu.memref_slice %arg6[%dma_wait3A_856, %dma_wait3A_857, %dma_wait3A_858] : memref<4x128x128xf32, #tpu.memory_space<vmem>> -> memref<1x128x128xf32, #tpu.memory_space<vmem>>
      %dma_wait3A_860 = tpu.memref_squeeze %dma_wait3A_859 : memref<1x128x128xf32, #tpu.memory_space<vmem>> -> memref<128x128xf32, #tpu.memory_space<vmem>>
      %dma_wait3A_861 = arith.constant 0 : i32
      %dma_wait3A_862 = arith.constant 0 : i32
      %dma_wait3A_863 = tpu.memref_slice %arg4[%dma_wait3A_861, %dma_wait3A_862] : memref<3276800x128xf32, #tpu.memory_space<hbm>> -> memref<128x128xf32, #tpu.memory_space<hbm>>
      %dma_wait3A_864 = arith.constant 0 : i32
      %dma_wait3A_865 = arith.constant 0 : i32
      %dma_wait3A_866 = tpu.memref_slice %arg4[%dma_wait3A_864, %dma_wait3A_865] : memref<3276800x128xf32, #tpu.memory_space<hbm>> -> memref<128x128xf32, #tpu.memory_space<hbm>>
      %dma_wait3A_867 = arith.constant 0 : i32
      %dma_wait3A_868 = arith.constant 0 : i32
      %dma_wait3A_869 = tpu.memref_slice %arg6[%dma_wait3A_856, %dma_wait3A_867, %dma_wait3A_868] : memref<4x128x128xf32, #tpu.memory_space<vmem>> -> memref<1x128x128xf32, #tpu.memory_space<vmem>>
      %dma_wait3A_870 = tpu.memref_squeeze %dma_wait3A_869 : memref<1x128x128xf32, #tpu.memory_space<vmem>> -> memref<128x128xf32, #tpu.memory_space<vmem>>
      tpu.wait_dma2 semaphore(%arg14 : memref<!tpu.dma_semaphore, #tpu.memory_space<semaphore_mem>>) src(%dma_wait3A_870 : memref<128x128xf32, #tpu.memory_space<vmem>>) dst(%dma_wait3A_866 : memref<128x128xf32, #tpu.memory_space<hbm>>)
      %dma_wait3A_871 = arith.constant 3 : i32
      %dma_wait3A_872 = arith.constant 0 : i32
      %dma_wait3A_873 = arith.constant 0 : i32
      %dma_wait3A_874 = tpu.memref_slice %arg5[%dma_wait3A_871, %dma_wait3A_872, %dma_wait3A_873] : memref<4x1x128xi32, #tpu.memory_space<vmem>> -> memref<1x1x128xi32, #tpu.memory_space<vmem>>
      %dma_wait3A_875 = tpu.memref_squeeze %dma_wait3A_874 : memref<1x1x128xi32, #tpu.memory_space<vmem>> -> memref<1x128xi32, #tpu.memory_space<vmem>>
      %dma_wait3A_876 = arith.constant 0 : i32
      %dma_wait3A_877 = arith.constant 0 : i32
      %dma_wait3A_878 = tpu.memref_slice %arg2[%dma_wait3A_876, %dma_wait3A_877] : memref<25600x128xi32, #tpu.memory_space<hbm>> -> memref<1x128xi32, #tpu.memory_space<hbm>>
      %dma_wait3A_879 = arith.constant 0 : i32
      %dma_wait3A_880 = arith.constant 0 : i32
      %dma_wait3A_881 = tpu.memref_slice %arg5[%dma_wait3A_871, %dma_wait3A_879, %dma_wait3A_880] : memref<4x1x128xi32, #tpu.memory_space<vmem>> -> memref<1x1x128xi32, #tpu.memory_space<vmem>>
      %dma_wait3A_882 = tpu.memref_squeeze %dma_wait3A_881 : memref<1x1x128xi32, #tpu.memory_space<vmem>> -> memref<1x128xi32, #tpu.memory_space<vmem>>
      %dma_wait3A_883 = arith.constant 0 : i32
      %dma_wait3A_884 = arith.constant 0 : i32
      %dma_wait3A_885 = tpu.memref_slice %arg2[%dma_wait3A_883, %dma_wait3A_884] : memref<25600x128xi32, #tpu.memory_space<hbm>> -> memref<1x128xi32, #tpu.memory_space<hbm>>
      tpu.wait_dma2 semaphore(%arg18 : memref<!tpu.dma_semaphore, #tpu.memory_space<semaphore_mem>>) src(%dma_wait3A_885 : memref<1x128xi32, #tpu.memory_space<hbm>>) dst(%dma_wait3A_882 : memref<1x128xi32, #tpu.memory_space<vmem>>)
      %add3A_886 = arith.constant 2 : i32
      %add3A_887 = arith.addi %add3A_824, %add3A_886 : i32
      %dma_start3A_888 = arith.constant 3 : i32
      %dma_start3A_889 = arith.constant 0 : i32
      %dma_start3A_890 = arith.constant 3 : i32
      %dma_start3A_891 = arith.constant 0 : i32
      %dma_start3A_892 = arith.constant 0 : i32
      %dma_start3A_893 = tpu.memref_slice %arg6[%dma_start3A_890, %dma_start3A_891, %dma_start3A_892] : memref<4x128x128xf32, #tpu.memory_space<vmem>> -> memref<1x128x128xf32, #tpu.memory_space<vmem>>
      %dma_start3A_894 = tpu.memref_squeeze %dma_start3A_893 : memref<1x128x128xf32, #tpu.memory_space<vmem>> -> memref<128x128xf32, #tpu.memory_space<vmem>>
      %dma_start3A_895 = arith.constant 0 : i32
      %dma_start3A_896 = tpu.memref_slice %arg5[%dma_start3A_888, %dma_start3A_889, %dma_start3A_895] : memref<4x1x128xi32, #tpu.memory_space<vmem>> -> memref<1x1x128xi32, #tpu.memory_space<vmem>>
      %dma_start3A_897 = tpu.memref_squeeze %dma_start3A_896 : memref<1x1x128xi32, #tpu.memory_space<vmem>> -> memref<128xi32, #tpu.memory_space<vmem>>
      %dma_start3A_898 = arith.constant 0 : i32
      %dma_start3A_899 = arith.constant 0 : i32
      %dma_start3A_900 = tpu.memref_slice %arg3[%dma_start3A_898, %dma_start3A_899] : memref<10000x128xf32, #tpu.memory_space<hbm>> -> memref<10000x128xf32, #tpu.memory_space<hbm>>
      tpu.enqueue_indirect_dma source(%dma_start3A_900 : memref<10000x128xf32, #tpu.memory_space<hbm>>) target(%dma_start3A_894 : memref<128x128xf32, #tpu.memory_space<vmem>>) offsets(%dma_start3A_897 : memref<128xi32, #tpu.memory_space<vmem>>) semaphore(%arg10 : memref<!tpu.dma_semaphore, #tpu.memory_space<semaphore_mem>>)
      %add3A_901 = arith.constant 4 : i32
      %add3A_902 = arith.addi %add3A_824, %add3A_901 : i32
      %add3A_903 = arith.addi %mul3A_2, %add3A_902 : i32
      %dma_start3A_904 = arith.constant 1 : i32
      %dma_start3A_905 = arith.constant 0 : i32
      %dma_start3A_906 = arith.constant 0 : i32
      %dma_start3A_907 = tpu.memref_slice %arg5[%dma_start3A_904, %dma_start3A_905, %dma_start3A_906] : memref<4x1x128xi32, #tpu.memory_space<vmem>> -> memref<1x1x128xi32, #tpu.memory_space<vmem>>
      %dma_start3A_908 = tpu.memref_squeeze %dma_start3A_907 : memref<1x1x128xi32, #tpu.memory_space<vmem>> -> memref<1x128xi32, #tpu.memory_space<vmem>>
      %dma_start3A_909 = arith.constant 0 : i32
      %dma_start3A_910 = tpu.memref_slice %arg2[%add3A_903, %dma_start3A_909] : memref<25600x128xi32, #tpu.memory_space<hbm>> -> memref<1x128xi32, #tpu.memory_space<hbm>>
      %dma_start3A_911 = arith.constant 0 : i32
      %dma_start3A_912 = arith.constant 0 : i32
      %dma_start3A_913 = tpu.memref_slice %arg5[%dma_start3A_904, %dma_start3A_911, %dma_start3A_912] : memref<4x1x128xi32, #tpu.memory_space<vmem>> -> memref<1x1x128xi32, #tpu.memory_space<vmem>>
      %dma_start3A_914 = tpu.memref_squeeze %dma_start3A_913 : memref<1x1x128xi32, #tpu.memory_space<vmem>> -> memref<1x128xi32, #tpu.memory_space<vmem>>
      %dma_start3A_915 = arith.constant 0 : i32
      %dma_start3A_916 = tpu.memref_slice %arg2[%add3A_903, %dma_start3A_915] : memref<25600x128xi32, #tpu.memory_space<hbm>> -> memref<1x128xi32, #tpu.memory_space<hbm>>
      tpu.enqueue_dma source(%dma_start3A_916 : memref<1x128xi32, #tpu.memory_space<hbm>>) target(%dma_start3A_914 : memref<1x128xi32, #tpu.memory_space<vmem>>) target_semaphore(%arg16 : memref<!tpu.dma_semaphore, #tpu.memory_space<semaphore_mem>>)
      %add3A_917 = arith.constant 2 : i32
      %add3A_918 = arith.addi %mul3A_728, %add3A_917 : i32
      %dma_wait3A_919 = arith.constant 2 : i32
      %dma_wait3A_920 = arith.constant 0 : i32
      %dma_wait3A_921 = arith.constant 0 : i32
      %dma_wait3A_922 = tpu.memref_slice %arg6[%dma_wait3A_919, %dma_wait3A_920, %dma_wait3A_921] : memref<4x128x128xf32, #tpu.memory_space<vmem>> -> memref<1x128x128xf32, #tpu.memory_space<vmem>>
      %dma_wait3A_923 = tpu.memref_squeeze %dma_wait3A_922 : memref<1x128x128xf32, #tpu.memory_space<vmem>> -> memref<128x128xf32, #tpu.memory_space<vmem>>
      %dma_wait3A_924 = arith.constant 0 : i32
      %dma_wait3A_925 = arith.constant 0 : i32
      %dma_wait3A_926 = tpu.memref_slice %arg3[%dma_wait3A_924, %dma_wait3A_925] : memref<10000x128xf32, #tpu.memory_space<hbm>> -> memref<128x128xf32, #tpu.memory_space<hbm>>
      %dma_wait3A_927 = arith.constant 0 : i32
      %dma_wait3A_928 = arith.constant 0 : i32
      %dma_wait3A_929 = tpu.memref_slice %arg6[%dma_wait3A_919, %dma_wait3A_927, %dma_wait3A_928] : memref<4x128x128xf32, #tpu.memory_space<vmem>> -> memref<1x128x128xf32, #tpu.memory_space<vmem>>
      %dma_wait3A_930 = tpu.memref_squeeze %dma_wait3A_929 : memref<1x128x128xf32, #tpu.memory_space<vmem>> -> memref<128x128xf32, #tpu.memory_space<vmem>>
      %dma_wait3A_931 = arith.constant 0 : i32
      %dma_wait3A_932 = arith.constant 0 : i32
      %dma_wait3A_933 = tpu.memref_slice %arg3[%dma_wait3A_931, %dma_wait3A_932] : memref<10000x128xf32, #tpu.memory_space<hbm>> -> memref<128x128xf32, #tpu.memory_space<hbm>>
      tpu.wait_dma2 semaphore(%arg9 : memref<!tpu.dma_semaphore, #tpu.memory_space<semaphore_mem>>) src(%dma_wait3A_933 : memref<128x128xf32, #tpu.memory_space<hbm>>) dst(%dma_wait3A_930 : memref<128x128xf32, #tpu.memory_space<vmem>>)
      %add3A_934 = arith.addi %mul3A_2, %add3A_918 : i32
      %mul3A_935 = arith.constant 128 : i32
      %mul3A_936 = arith.muli %add3A_934, %mul3A_935 : i32
      %dma_start3A_937 = arith.constant 2 : i32
      %dma_start3A_938 = arith.constant 0 : i32
      %dma_start3A_939 = arith.constant 0 : i32
      %dma_start3A_940 = tpu.memref_slice %arg6[%dma_start3A_937, %dma_start3A_938, %dma_start3A_939] : memref<4x128x128xf32, #tpu.memory_space<vmem>> -> memref<1x128x128xf32, #tpu.memory_space<vmem>>
      %dma_start3A_941 = tpu.memref_squeeze %dma_start3A_940 : memref<1x128x128xf32, #tpu.memory_space<vmem>> -> memref<128x128xf32, #tpu.memory_space<vmem>>
      %dma_start3A_942 = arith.constant 0 : i32
      %dma_start3A_943 = tpu.memref_slice %arg4[%mul3A_936, %dma_start3A_942] : memref<3276800x128xf32, #tpu.memory_space<hbm>> -> memref<128x128xf32, #tpu.memory_space<hbm>>
      %dma_start3A_944 = arith.constant 0 : i32
      %dma_start3A_945 = tpu.memref_slice %arg4[%mul3A_936, %dma_start3A_944] : memref<3276800x128xf32, #tpu.memory_space<hbm>> -> memref<128x128xf32, #tpu.memory_space<hbm>>
      %dma_start3A_946 = arith.constant 0 : i32
      %dma_start3A_947 = arith.constant 0 : i32
      %dma_start3A_948 = tpu.memref_slice %arg6[%dma_start3A_937, %dma_start3A_946, %dma_start3A_947] : memref<4x128x128xf32, #tpu.memory_space<vmem>> -> memref<1x128x128xf32, #tpu.memory_space<vmem>>
      %dma_start3A_949 = tpu.memref_squeeze %dma_start3A_948 : memref<1x128x128xf32, #tpu.memory_space<vmem>> -> memref<128x128xf32, #tpu.memory_space<vmem>>
      tpu.enqueue_dma source(%dma_start3A_949 : memref<128x128xf32, #tpu.memory_space<vmem>>) target(%dma_start3A_945 : memref<128x128xf32, #tpu.memory_space<hbm>>) target_semaphore(%arg13 : memref<!tpu.dma_semaphore, #tpu.memory_space<semaphore_mem>>)
      %dma_wait3A_950 = arith.constant 0 : i32
      %dma_wait3A_951 = arith.constant 0 : i32
      %dma_wait3A_952 = arith.constant 0 : i32
      %dma_wait3A_953 = tpu.memref_slice %arg6[%dma_wait3A_950, %dma_wait3A_951, %dma_wait3A_952] : memref<4x128x128xf32, #tpu.memory_space<vmem>> -> memref<1x128x128xf32, #tpu.memory_space<vmem>>
      %dma_wait3A_954 = tpu.memref_squeeze %dma_wait3A_953 : memref<1x128x128xf32, #tpu.memory_space<vmem>> -> memref<128x128xf32, #tpu.memory_space<vmem>>
      %dma_wait3A_955 = arith.constant 0 : i32
      %dma_wait3A_956 = arith.constant 0 : i32
      %dma_wait3A_957 = tpu.memref_slice %arg4[%dma_wait3A_955, %dma_wait3A_956] : memref<3276800x128xf32, #tpu.memory_space<hbm>> -> memref<128x128xf32, #tpu.memory_space<hbm>>
      %dma_wait3A_958 = arith.constant 0 : i32
      %dma_wait3A_959 = arith.constant 0 : i32
      %dma_wait3A_960 = tpu.memref_slice %arg4[%dma_wait3A_958, %dma_wait3A_959] : memref<3276800x128xf32, #tpu.memory_space<hbm>> -> memref<128x128xf32, #tpu.memory_space<hbm>>
      %dma_wait3A_961 = arith.constant 0 : i32
      %dma_wait3A_962 = arith.constant 0 : i32
      %dma_wait3A_963 = tpu.memref_slice %arg6[%dma_wait3A_950, %dma_wait3A_961, %dma_wait3A_962] : memref<4x128x128xf32, #tpu.memory_space<vmem>> -> memref<1x128x128xf32, #tpu.memory_space<vmem>>
      %dma_wait3A_964 = tpu.memref_squeeze %dma_wait3A_963 : memref<1x128x128xf32, #tpu.memory_space<vmem>> -> memref<128x128xf32, #tpu.memory_space<vmem>>
      tpu.wait_dma2 semaphore(%arg11 : memref<!tpu.dma_semaphore, #tpu.memory_space<semaphore_mem>>) src(%dma_wait3A_964 : memref<128x128xf32, #tpu.memory_space<vmem>>) dst(%dma_wait3A_960 : memref<128x128xf32, #tpu.memory_space<hbm>>)
      %dma_wait3A_965 = arith.constant 0 : i32
      %dma_wait3A_966 = arith.constant 0 : i32
      %dma_wait3A_967 = arith.constant 0 : i32
      %dma_wait3A_968 = tpu.memref_slice %arg5[%dma_wait3A_965, %dma_wait3A_966, %dma_wait3A_967] : memref<4x1x128xi32, #tpu.memory_space<vmem>> -> memref<1x1x128xi32, #tpu.memory_space<vmem>>
      %dma_wait3A_969 = tpu.memref_squeeze %dma_wait3A_968 : memref<1x1x128xi32, #tpu.memory_space<vmem>> -> memref<1x128xi32, #tpu.memory_space<vmem>>
      %dma_wait3A_970 = arith.constant 0 : i32
      %dma_wait3A_971 = arith.constant 0 : i32
      %dma_wait3A_972 = tpu.memref_slice %arg2[%dma_wait3A_970, %dma_wait3A_971] : memref<25600x128xi32, #tpu.memory_space<hbm>> -> memref<1x128xi32, #tpu.memory_space<hbm>>
      %dma_wait3A_973 = arith.constant 0 : i32
      %dma_wait3A_974 = arith.constant 0 : i32
      %dma_wait3A_975 = tpu.memref_slice %arg5[%dma_wait3A_965, %dma_wait3A_973, %dma_wait3A_974] : memref<4x1x128xi32, #tpu.memory_space<vmem>> -> memref<1x1x128xi32, #tpu.memory_space<vmem>>
      %dma_wait3A_976 = tpu.memref_squeeze %dma_wait3A_975 : memref<1x1x128xi32, #tpu.memory_space<vmem>> -> memref<1x128xi32, #tpu.memory_space<vmem>>
      %dma_wait3A_977 = arith.constant 0 : i32
      %dma_wait3A_978 = arith.constant 0 : i32
      %dma_wait3A_979 = tpu.memref_slice %arg2[%dma_wait3A_977, %dma_wait3A_978] : memref<25600x128xi32, #tpu.memory_space<hbm>> -> memref<1x128xi32, #tpu.memory_space<hbm>>
      tpu.wait_dma2 semaphore(%arg15 : memref<!tpu.dma_semaphore, #tpu.memory_space<semaphore_mem>>) src(%dma_wait3A_979 : memref<1x128xi32, #tpu.memory_space<hbm>>) dst(%dma_wait3A_976 : memref<1x128xi32, #tpu.memory_space<vmem>>)
      %add3A_980 = arith.constant 2 : i32
      %add3A_981 = arith.addi %add3A_918, %add3A_980 : i32
      %dma_start3A_982 = arith.constant 0 : i32
      %dma_start3A_983 = arith.constant 0 : i32
      %dma_start3A_984 = arith.constant 0 : i32
      %dma_start3A_985 = arith.constant 0 : i32
      %dma_start3A_986 = arith.constant 0 : i32
      %dma_start3A_987 = tpu.memref_slice %arg6[%dma_start3A_984, %dma_start3A_985, %dma_start3A_986] : memref<4x128x128xf32, #tpu.memory_space<vmem>> -> memref<1x128x128xf32, #tpu.memory_space<vmem>>
      %dma_start3A_988 = tpu.memref_squeeze %dma_start3A_987 : memref<1x128x128xf32, #tpu.memory_space<vmem>> -> memref<128x128xf32, #tpu.memory_space<vmem>>
      %dma_start3A_989 = arith.constant 0 : i32
      %dma_start3A_990 = tpu.memref_slice %arg5[%dma_start3A_982, %dma_start3A_983, %dma_start3A_989] : memref<4x1x128xi32, #tpu.memory_space<vmem>> -> memref<1x1x128xi32, #tpu.memory_space<vmem>>
      %dma_start3A_991 = tpu.memref_squeeze %dma_start3A_990 : memref<1x1x128xi32, #tpu.memory_space<vmem>> -> memref<128xi32, #tpu.memory_space<vmem>>
      %dma_start3A_992 = arith.constant 0 : i32
      %dma_start3A_993 = arith.constant 0 : i32
      %dma_start3A_994 = tpu.memref_slice %arg3[%dma_start3A_992, %dma_start3A_993] : memref<10000x128xf32, #tpu.memory_space<hbm>> -> memref<10000x128xf32, #tpu.memory_space<hbm>>
      tpu.enqueue_indirect_dma source(%dma_start3A_994 : memref<10000x128xf32, #tpu.memory_space<hbm>>) target(%dma_start3A_988 : memref<128x128xf32, #tpu.memory_space<vmem>>) offsets(%dma_start3A_991 : memref<128xi32, #tpu.memory_space<vmem>>) semaphore(%arg7 : memref<!tpu.dma_semaphore, #tpu.memory_space<semaphore_mem>>)
      %add3A_995 = arith.constant 4 : i32
      %add3A_996 = arith.addi %add3A_918, %add3A_995 : i32
      %add3A_997 = arith.addi %mul3A_2, %add3A_996 : i32
      %dma_start3A_998 = arith.constant 2 : i32
      %dma_start3A_999 = arith.constant 0 : i32
      %dma_start3A_1000 = arith.constant 0 : i32
      %dma_start3A_1001 = tpu.memref_slice %arg5[%dma_start3A_998, %dma_start3A_999, %dma_start3A_1000] : memref<4x1x128xi32, #tpu.memory_space<vmem>> -> memref<1x1x128xi32, #tpu.memory_space<vmem>>
      %dma_start3A_1002 = tpu.memref_squeeze %dma_start3A_1001 : memref<1x1x128xi32, #tpu.memory_space<vmem>> -> memref<1x128xi32, #tpu.memory_space<vmem>>
      %dma_start3A_1003 = arith.constant 0 : i32
      %dma_start3A_1004 = tpu.memref_slice %arg2[%add3A_997, %dma_start3A_1003] : memref<25600x128xi32, #tpu.memory_space<hbm>> -> memref<1x128xi32, #tpu.memory_space<hbm>>
      %dma_start3A_1005 = arith.constant 0 : i32
      %dma_start3A_1006 = arith.constant 0 : i32
      %dma_start3A_1007 = tpu.memref_slice %arg5[%dma_start3A_998, %dma_start3A_1005, %dma_start3A_1006] : memref<4x1x128xi32, #tpu.memory_space<vmem>> -> memref<1x1x128xi32, #tpu.memory_space<vmem>>
      %dma_start3A_1008 = tpu.memref_squeeze %dma_start3A_1007 : memref<1x1x128xi32, #tpu.memory_space<vmem>> -> memref<1x128xi32, #tpu.memory_space<vmem>>
      %dma_start3A_1009 = arith.constant 0 : i32
      %dma_start3A_1010 = tpu.memref_slice %arg2[%add3A_997, %dma_start3A_1009] : memref<25600x128xi32, #tpu.memory_space<hbm>> -> memref<1x128xi32, #tpu.memory_space<hbm>>
      tpu.enqueue_dma source(%dma_start3A_1010 : memref<1x128xi32, #tpu.memory_space<hbm>>) target(%dma_start3A_1008 : memref<1x128xi32, #tpu.memory_space<vmem>>) target_semaphore(%arg17 : memref<!tpu.dma_semaphore, #tpu.memory_space<semaphore_mem>>)
      %add3A_1011 = arith.constant 3 : i32
      %add3A_1012 = arith.addi %mul3A_728, %add3A_1011 : i32
      %dma_wait3A_1013 = arith.constant 3 : i32
      %dma_wait3A_1014 = arith.constant 0 : i32
      %dma_wait3A_1015 = arith.constant 0 : i32
      %dma_wait3A_1016 = tpu.memref_slice %arg6[%dma_wait3A_1013, %dma_wait3A_1014, %dma_wait3A_1015] : memref<4x128x128xf32, #tpu.memory_space<vmem>> -> memref<1x128x128xf32, #tpu.memory_space<vmem>>
      %dma_wait3A_1017 = tpu.memref_squeeze %dma_wait3A_1016 : memref<1x128x128xf32, #tpu.memory_space<vmem>> -> memref<128x128xf32, #tpu.memory_space<vmem>>
      %dma_wait3A_1018 = arith.constant 0 : i32
      %dma_wait3A_1019 = arith.constant 0 : i32
      %dma_wait3A_1020 = tpu.memref_slice %arg3[%dma_wait3A_1018, %dma_wait3A_1019] : memref<10000x128xf32, #tpu.memory_space<hbm>> -> memref<128x128xf32, #tpu.memory_space<hbm>>
      %dma_wait3A_1021 = arith.constant 0 : i32
      %dma_wait3A_1022 = arith.constant 0 : i32
      %dma_wait3A_1023 = tpu.memref_slice %arg6[%dma_wait3A_1013, %dma_wait3A_1021, %dma_wait3A_1022] : memref<4x128x128xf32, #tpu.memory_space<vmem>> -> memref<1x128x128xf32, #tpu.memory_space<vmem>>
      %dma_wait3A_1024 = tpu.memref_squeeze %dma_wait3A_1023 : memref<1x128x128xf32, #tpu.memory_space<vmem>> -> memref<128x128xf32, #tpu.memory_space<vmem>>
      %dma_wait3A_1025 = arith.constant 0 : i32
      %dma_wait3A_1026 = arith.constant 0 : i32
      %dma_wait3A_1027 = tpu.memref_slice %arg3[%dma_wait3A_1025, %dma_wait3A_1026] : memref<10000x128xf32, #tpu.memory_space<hbm>> -> memref<128x128xf32, #tpu.memory_space<hbm>>
      tpu.wait_dma2 semaphore(%arg10 : memref<!tpu.dma_semaphore, #tpu.memory_space<semaphore_mem>>) src(%dma_wait3A_1027 : memref<128x128xf32, #tpu.memory_space<hbm>>) dst(%dma_wait3A_1024 : memref<128x128xf32, #tpu.memory_space<vmem>>)
      %add3A_1028 = arith.addi %mul3A_2, %add3A_1012 : i32
      %mul3A_1029 = arith.constant 128 : i32
      %mul3A_1030 = arith.muli %add3A_1028, %mul3A_1029 : i32
      %dma_start3A_1031 = arith.constant 3 : i32
      %dma_start3A_1032 = arith.constant 0 : i32
      %dma_start3A_1033 = arith.constant 0 : i32
      %dma_start3A_1034 = tpu.memref_slice %arg6[%dma_start3A_1031, %dma_start3A_1032, %dma_start3A_1033] : memref<4x128x128xf32, #tpu.memory_space<vmem>> -> memref<1x128x128xf32, #tpu.memory_space<vmem>>
      %dma_start3A_1035 = tpu.memref_squeeze %dma_start3A_1034 : memref<1x128x128xf32, #tpu.memory_space<vmem>> -> memref<128x128xf32, #tpu.memory_space<vmem>>
      %dma_start3A_1036 = arith.constant 0 : i32
      %dma_start3A_1037 = tpu.memref_slice %arg4[%mul3A_1030, %dma_start3A_1036] : memref<3276800x128xf32, #tpu.memory_space<hbm>> -> memref<128x128xf32, #tpu.memory_space<hbm>>
      %dma_start3A_1038 = arith.constant 0 : i32
      %dma_start3A_1039 = tpu.memref_slice %arg4[%mul3A_1030, %dma_start3A_1038] : memref<3276800x128xf32, #tpu.memory_space<hbm>> -> memref<128x128xf32, #tpu.memory_space<hbm>>
      %dma_start3A_1040 = arith.constant 0 : i32
      %dma_start3A_1041 = arith.constant 0 : i32
      %dma_start3A_1042 = tpu.memref_slice %arg6[%dma_start3A_1031, %dma_start3A_1040, %dma_start3A_1041] : memref<4x128x128xf32, #tpu.memory_space<vmem>> -> memref<1x128x128xf32, #tpu.memory_space<vmem>>
      %dma_start3A_1043 = tpu.memref_squeeze %dma_start3A_1042 : memref<1x128x128xf32, #tpu.memory_space<vmem>> -> memref<128x128xf32, #tpu.memory_space<vmem>>
      tpu.enqueue_dma source(%dma_start3A_1043 : memref<128x128xf32, #tpu.memory_space<vmem>>) target(%dma_start3A_1039 : memref<128x128xf32, #tpu.memory_space<hbm>>) target_semaphore(%arg14 : memref<!tpu.dma_semaphore, #tpu.memory_space<semaphore_mem>>)
      %dma_wait3A_1044 = arith.constant 1 : i32
      %dma_wait3A_1045 = arith.constant 0 : i32
      %dma_wait3A_1046 = arith.constant 0 : i32
      %dma_wait3A_1047 = tpu.memref_slice %arg6[%dma_wait3A_1044, %dma_wait3A_1045, %dma_wait3A_1046] : memref<4x128x128xf32, #tpu.memory_space<vmem>> -> memref<1x128x128xf32, #tpu.memory_space<vmem>>
      %dma_wait3A_1048 = tpu.memref_squeeze %dma_wait3A_1047 : memref<1x128x128xf32, #tpu.memory_space<vmem>> -> memref<128x128xf32, #tpu.memory_space<vmem>>
      %dma_wait3A_1049 = arith.constant 0 : i32
      %dma_wait3A_1050 = arith.constant 0 : i32
      %dma_wait3A_1051 = tpu.memref_slice %arg4[%dma_wait3A_1049, %dma_wait3A_1050] : memref<3276800x128xf32, #tpu.memory_space<hbm>> -> memref<128x128xf32, #tpu.memory_space<hbm>>
      %dma_wait3A_1052 = arith.constant 0 : i32
      %dma_wait3A_1053 = arith.constant 0 : i32
      %dma_wait3A_1054 = tpu.memref_slice %arg4[%dma_wait3A_1052, %dma_wait3A_1053] : memref<3276800x128xf32, #tpu.memory_space<hbm>> -> memref<128x128xf32, #tpu.memory_space<hbm>>
      %dma_wait3A_1055 = arith.constant 0 : i32
      %dma_wait3A_1056 = arith.constant 0 : i32
      %dma_wait3A_1057 = tpu.memref_slice %arg6[%dma_wait3A_1044, %dma_wait3A_1055, %dma_wait3A_1056] : memref<4x128x128xf32, #tpu.memory_space<vmem>> -> memref<1x128x128xf32, #tpu.memory_space<vmem>>
      %dma_wait3A_1058 = tpu.memref_squeeze %dma_wait3A_1057 : memref<1x128x128xf32, #tpu.memory_space<vmem>> -> memref<128x128xf32, #tpu.memory_space<vmem>>
      tpu.wait_dma2 semaphore(%arg12 : memref<!tpu.dma_semaphore, #tpu.memory_space<semaphore_mem>>) src(%dma_wait3A_1058 : memref<128x128xf32, #tpu.memory_space<vmem>>) dst(%dma_wait3A_1054 : memref<128x128xf32, #tpu.memory_space<hbm>>)
      %dma_wait3A_1059 = arith.constant 1 : i32
      %dma_wait3A_1060 = arith.constant 0 : i32
      %dma_wait3A_1061 = arith.constant 0 : i32
      %dma_wait3A_1062 = tpu.memref_slice %arg5[%dma_wait3A_1059, %dma_wait3A_1060, %dma_wait3A_1061] : memref<4x1x128xi32, #tpu.memory_space<vmem>> -> memref<1x1x128xi32, #tpu.memory_space<vmem>>
      %dma_wait3A_1063 = tpu.memref_squeeze %dma_wait3A_1062 : memref<1x1x128xi32, #tpu.memory_space<vmem>> -> memref<1x128xi32, #tpu.memory_space<vmem>>
      %dma_wait3A_1064 = arith.constant 0 : i32
      %dma_wait3A_1065 = arith.constant 0 : i32
      %dma_wait3A_1066 = tpu.memref_slice %arg2[%dma_wait3A_1064, %dma_wait3A_1065] : memref<25600x128xi32, #tpu.memory_space<hbm>> -> memref<1x128xi32, #tpu.memory_space<hbm>>
      %dma_wait3A_1067 = arith.constant 0 : i32
      %dma_wait3A_1068 = arith.constant 0 : i32
      %dma_wait3A_1069 = tpu.memref_slice %arg5[%dma_wait3A_1059, %dma_wait3A_1067, %dma_wait3A_1068] : memref<4x1x128xi32, #tpu.memory_space<vmem>> -> memref<1x1x128xi32, #tpu.memory_space<vmem>>
      %dma_wait3A_1070 = tpu.memref_squeeze %dma_wait3A_1069 : memref<1x1x128xi32, #tpu.memory_space<vmem>> -> memref<1x128xi32, #tpu.memory_space<vmem>>
      %dma_wait3A_1071 = arith.constant 0 : i32
      %dma_wait3A_1072 = arith.constant 0 : i32
      %dma_wait3A_1073 = tpu.memref_slice %arg2[%dma_wait3A_1071, %dma_wait3A_1072] : memref<25600x128xi32, #tpu.memory_space<hbm>> -> memref<1x128xi32, #tpu.memory_space<hbm>>
      tpu.wait_dma2 semaphore(%arg16 : memref<!tpu.dma_semaphore, #tpu.memory_space<semaphore_mem>>) src(%dma_wait3A_1073 : memref<1x128xi32, #tpu.memory_space<hbm>>) dst(%dma_wait3A_1070 : memref<1x128xi32, #tpu.memory_space<vmem>>)
      %add3A_1074 = arith.constant 2 : i32
      %add3A_1075 = arith.addi %add3A_1012, %add3A_1074 : i32
      %dma_start3A_1076 = arith.constant 1 : i32
      %dma_start3A_1077 = arith.constant 0 : i32
      %dma_start3A_1078 = arith.constant 1 : i32
      %dma_start3A_1079 = arith.constant 0 : i32
      %dma_start3A_1080 = arith.constant 0 : i32
      %dma_start3A_1081 = tpu.memref_slice %arg6[%dma_start3A_1078, %dma_start3A_1079, %dma_start3A_1080] : memref<4x128x128xf32, #tpu.memory_space<vmem>> -> memref<1x128x128xf32, #tpu.memory_space<vmem>>
      %dma_start3A_1082 = tpu.memref_squeeze %dma_start3A_1081 : memref<1x128x128xf32, #tpu.memory_space<vmem>> -> memref<128x128xf32, #tpu.memory_space<vmem>>
      %dma_start3A_1083 = arith.constant 0 : i32
      %dma_start3A_1084 = tpu.memref_slice %arg5[%dma_start3A_1076, %dma_start3A_1077, %dma_start3A_1083] : memref<4x1x128xi32, #tpu.memory_space<vmem>> -> memref<1x1x128xi32, #tpu.memory_space<vmem>>
      %dma_start3A_1085 = tpu.memref_squeeze %dma_start3A_1084 : memref<1x1x128xi32, #tpu.memory_space<vmem>> -> memref<128xi32, #tpu.memory_space<vmem>>
      %dma_start3A_1086 = arith.constant 0 : i32
      %dma_start3A_1087 = arith.constant 0 : i32
      %dma_start3A_1088 = tpu.memref_slice %arg3[%dma_start3A_1086, %dma_start3A_1087] : memref<10000x128xf32, #tpu.memory_space<hbm>> -> memref<10000x128xf32, #tpu.memory_space<hbm>>
      tpu.enqueue_indirect_dma source(%dma_start3A_1088 : memref<10000x128xf32, #tpu.memory_space<hbm>>) target(%dma_start3A_1082 : memref<128x128xf32, #tpu.memory_space<vmem>>) offsets(%dma_start3A_1085 : memref<128xi32, #tpu.memory_space<vmem>>) semaphore(%arg8 : memref<!tpu.dma_semaphore, #tpu.memory_space<semaphore_mem>>)
      %add3A_1089 = arith.constant 4 : i32
      %add3A_1090 = arith.addi %add3A_1012, %add3A_1089 : i32
      %add3A_1091 = arith.addi %mul3A_2, %add3A_1090 : i32
      %dma_start3A_1092 = arith.constant 3 : i32
      %dma_start3A_1093 = arith.constant 0 : i32
      %dma_start3A_1094 = arith.constant 0 : i32
      %dma_start3A_1095 = tpu.memref_slice %arg5[%dma_start3A_1092, %dma_start3A_1093, %dma_start3A_1094] : memref<4x1x128xi32, #tpu.memory_space<vmem>> -> memref<1x1x128xi32, #tpu.memory_space<vmem>>
      %dma_start3A_1096 = tpu.memref_squeeze %dma_start3A_1095 : memref<1x1x128xi32, #tpu.memory_space<vmem>> -> memref<1x128xi32, #tpu.memory_space<vmem>>
      %dma_start3A_1097 = arith.constant 0 : i32
      %dma_start3A_1098 = tpu.memref_slice %arg2[%add3A_1091, %dma_start3A_1097] : memref<25600x128xi32, #tpu.memory_space<hbm>> -> memref<1x128xi32, #tpu.memory_space<hbm>>
      %dma_start3A_1099 = arith.constant 0 : i32
      %dma_start3A_1100 = arith.constant 0 : i32
      %dma_start3A_1101 = tpu.memref_slice %arg5[%dma_start3A_1092, %dma_start3A_1099, %dma_start3A_1100] : memref<4x1x128xi32, #tpu.memory_space<vmem>> -> memref<1x1x128xi32, #tpu.memory_space<vmem>>
      %dma_start3A_1102 = tpu.memref_squeeze %dma_start3A_1101 : memref<1x1x128xi32, #tpu.memory_space<vmem>> -> memref<1x128xi32, #tpu.memory_space<vmem>>
      %dma_start3A_1103 = arith.constant 0 : i32
      %dma_start3A_1104 = tpu.memref_slice %arg2[%add3A_1091, %dma_start3A_1103] : memref<25600x128xi32, #tpu.memory_space<hbm>> -> memref<1x128xi32, #tpu.memory_space<hbm>>
      tpu.enqueue_dma source(%dma_start3A_1104 : memref<1x128xi32, #tpu.memory_space<hbm>>) target(%dma_start3A_1102 : memref<1x128xi32, #tpu.memory_space<vmem>>) target_semaphore(%arg18 : memref<!tpu.dma_semaphore, #tpu.memory_space<semaphore_mem>>)
    }
    %scan3A_451 = arith.constant 198 : i32
    %dma_wait3A_452 = arith.constant 0 : i32
    %dma_wait3A_453 = arith.constant 0 : i32
    %dma_wait3A_454 = arith.constant 0 : i32
    %dma_wait3A_455 = tpu.memref_slice %arg6[%dma_wait3A_452, %dma_wait3A_453, %dma_wait3A_454] : memref<4x128x128xf32, #tpu.memory_space<vmem>> -> memref<1x128x128xf32, #tpu.memory_space<vmem>>
    %dma_wait3A_456 = tpu.memref_squeeze %dma_wait3A_455 : memref<1x128x128xf32, #tpu.memory_space<vmem>> -> memref<128x128xf32, #tpu.memory_space<vmem>>
    %dma_wait3A_457 = arith.constant 0 : i32
    %dma_wait3A_458 = arith.constant 0 : i32
    %dma_wait3A_459 = tpu.memref_slice %arg3[%dma_wait3A_457, %dma_wait3A_458] : memref<10000x128xf32, #tpu.memory_space<hbm>> -> memref<128x128xf32, #tpu.memory_space<hbm>>
    %dma_wait3A_460 = arith.constant 0 : i32
    %dma_wait3A_461 = arith.constant 0 : i32
    %dma_wait3A_462 = tpu.memref_slice %arg6[%dma_wait3A_452, %dma_wait3A_460, %dma_wait3A_461] : memref<4x128x128xf32, #tpu.memory_space<vmem>> -> memref<1x128x128xf32, #tpu.memory_space<vmem>>
    %dma_wait3A_463 = tpu.memref_squeeze %dma_wait3A_462 : memref<1x128x128xf32, #tpu.memory_space<vmem>> -> memref<128x128xf32, #tpu.memory_space<vmem>>
    %dma_wait3A_464 = arith.constant 0 : i32
    %dma_wait3A_465 = arith.constant 0 : i32
    %dma_wait3A_466 = tpu.memref_slice %arg3[%dma_wait3A_464, %dma_wait3A_465] : memref<10000x128xf32, #tpu.memory_space<hbm>> -> memref<128x128xf32, #tpu.memory_space<hbm>>
    tpu.wait_dma2 semaphore(%arg7 : memref<!tpu.dma_semaphore, #tpu.memory_space<semaphore_mem>>) src(%dma_wait3A_466 : memref<128x128xf32, #tpu.memory_space<hbm>>) dst(%dma_wait3A_463 : memref<128x128xf32, #tpu.memory_space<vmem>>)
    %add3A_467 = arith.constant 796 : i32
    %add3A_468 = arith.addi %mul3A_2, %add3A_467 : i32
    %mul3A_469 = arith.constant 128 : i32
    %mul3A_470 = arith.muli %add3A_468, %mul3A_469 : i32
    %dma_start3A_471 = arith.constant 0 : i32
    %dma_start3A_472 = arith.constant 0 : i32
    %dma_start3A_473 = arith.constant 0 : i32
    %dma_start3A_474 = tpu.memref_slice %arg6[%dma_start3A_471, %dma_start3A_472, %dma_start3A_473] : memref<4x128x128xf32, #tpu.memory_space<vmem>> -> memref<1x128x128xf32, #tpu.memory_space<vmem>>
    %dma_start3A_475 = tpu.memref_squeeze %dma_start3A_474 : memref<1x128x128xf32, #tpu.memory_space<vmem>> -> memref<128x128xf32, #tpu.memory_space<vmem>>
    %dma_start3A_476 = arith.constant 0 : i32
    %dma_start3A_477 = tpu.memref_slice %arg4[%mul3A_470, %dma_start3A_476] : memref<3276800x128xf32, #tpu.memory_space<hbm>> -> memref<128x128xf32, #tpu.memory_space<hbm>>
    %dma_start3A_478 = arith.constant 0 : i32
    %dma_start3A_479 = tpu.memref_slice %arg4[%mul3A_470, %dma_start3A_478] : memref<3276800x128xf32, #tpu.memory_space<hbm>> -> memref<128x128xf32, #tpu.memory_space<hbm>>
    %dma_start3A_480 = arith.constant 0 : i32
    %dma_start3A_481 = arith.constant 0 : i32
    %dma_start3A_482 = tpu.memref_slice %arg6[%dma_start3A_471, %dma_start3A_480, %dma_start3A_481] : memref<4x128x128xf32, #tpu.memory_space<vmem>> -> memref<1x128x128xf32, #tpu.memory_space<vmem>>
    %dma_start3A_483 = tpu.memref_squeeze %dma_start3A_482 : memref<1x128x128xf32, #tpu.memory_space<vmem>> -> memref<128x128xf32, #tpu.memory_space<vmem>>
    tpu.enqueue_dma source(%dma_start3A_483 : memref<128x128xf32, #tpu.memory_space<vmem>>) target(%dma_start3A_479 : memref<128x128xf32, #tpu.memory_space<hbm>>) target_semaphore(%arg11 : memref<!tpu.dma_semaphore, #tpu.memory_space<semaphore_mem>>)
    %dma_wait3A_484 = arith.constant 2 : i32
    %dma_wait3A_485 = arith.constant 0 : i32
    %dma_wait3A_486 = arith.constant 0 : i32
    %dma_wait3A_487 = tpu.memref_slice %arg6[%dma_wait3A_484, %dma_wait3A_485, %dma_wait3A_486] : memref<4x128x128xf32, #tpu.memory_space<vmem>> -> memref<1x128x128xf32, #tpu.memory_space<vmem>>
    %dma_wait3A_488 = tpu.memref_squeeze %dma_wait3A_487 : memref<1x128x128xf32, #tpu.memory_space<vmem>> -> memref<128x128xf32, #tpu.memory_space<vmem>>
    %dma_wait3A_489 = arith.constant 0 : i32
    %dma_wait3A_490 = arith.constant 0 : i32
    %dma_wait3A_491 = tpu.memref_slice %arg4[%dma_wait3A_489, %dma_wait3A_490] : memref<3276800x128xf32, #tpu.memory_space<hbm>> -> memref<128x128xf32, #tpu.memory_space<hbm>>
    %dma_wait3A_492 = arith.constant 0 : i32
    %dma_wait3A_493 = arith.constant 0 : i32
    %dma_wait3A_494 = tpu.memref_slice %arg4[%dma_wait3A_492, %dma_wait3A_493] : memref<3276800x128xf32, #tpu.memory_space<hbm>> -> memref<128x128xf32, #tpu.memory_space<hbm>>
    %dma_wait3A_495 = arith.constant 0 : i32
    %dma_wait3A_496 = arith.constant 0 : i32
    %dma_wait3A_497 = tpu.memref_slice %arg6[%dma_wait3A_484, %dma_wait3A_495, %dma_wait3A_496] : memref<4x128x128xf32, #tpu.memory_space<vmem>> -> memref<1x128x128xf32, #tpu.memory_space<vmem>>
    %dma_wait3A_498 = tpu.memref_squeeze %dma_wait3A_497 : memref<1x128x128xf32, #tpu.memory_space<vmem>> -> memref<128x128xf32, #tpu.memory_space<vmem>>
    tpu.wait_dma2 semaphore(%arg13 : memref<!tpu.dma_semaphore, #tpu.memory_space<semaphore_mem>>) src(%dma_wait3A_498 : memref<128x128xf32, #tpu.memory_space<vmem>>) dst(%dma_wait3A_494 : memref<128x128xf32, #tpu.memory_space<hbm>>)
    %dma_wait3A_499 = arith.constant 2 : i32
    %dma_wait3A_500 = arith.constant 0 : i32
    %dma_wait3A_501 = arith.constant 0 : i32
    %dma_wait3A_502 = tpu.memref_slice %arg5[%dma_wait3A_499, %dma_wait3A_500, %dma_wait3A_501] : memref<4x1x128xi32, #tpu.memory_space<vmem>> -> memref<1x1x128xi32, #tpu.memory_space<vmem>>
    %dma_wait3A_503 = tpu.memref_squeeze %dma_wait3A_502 : memref<1x1x128xi32, #tpu.memory_space<vmem>> -> memref<1x128xi32, #tpu.memory_space<vmem>>
    %dma_wait3A_504 = arith.constant 0 : i32
    %dma_wait3A_505 = arith.constant 0 : i32
    %dma_wait3A_506 = tpu.memref_slice %arg2[%dma_wait3A_504, %dma_wait3A_505] : memref<25600x128xi32, #tpu.memory_space<hbm>> -> memref<1x128xi32, #tpu.memory_space<hbm>>
    %dma_wait3A_507 = arith.constant 0 : i32
    %dma_wait3A_508 = arith.constant 0 : i32
    %dma_wait3A_509 = tpu.memref_slice %arg5[%dma_wait3A_499, %dma_wait3A_507, %dma_wait3A_508] : memref<4x1x128xi32, #tpu.memory_space<vmem>> -> memref<1x1x128xi32, #tpu.memory_space<vmem>>
    %dma_wait3A_510 = tpu.memref_squeeze %dma_wait3A_509 : memref<1x1x128xi32, #tpu.memory_space<vmem>> -> memref<1x128xi32, #tpu.memory_space<vmem>>
    %dma_wait3A_511 = arith.constant 0 : i32
    %dma_wait3A_512 = arith.constant 0 : i32
    %dma_wait3A_513 = tpu.memref_slice %arg2[%dma_wait3A_511, %dma_wait3A_512] : memref<25600x128xi32, #tpu.memory_space<hbm>> -> memref<1x128xi32, #tpu.memory_space<hbm>>
    tpu.wait_dma2 semaphore(%arg17 : memref<!tpu.dma_semaphore, #tpu.memory_space<semaphore_mem>>) src(%dma_wait3A_513 : memref<1x128xi32, #tpu.memory_space<hbm>>) dst(%dma_wait3A_510 : memref<1x128xi32, #tpu.memory_space<vmem>>)
    %dma_start3A_514 = arith.constant 2 : i32
    %dma_start3A_515 = arith.constant 0 : i32
    %dma_start3A_516 = arith.constant 2 : i32
    %dma_start3A_517 = arith.constant 0 : i32
    %dma_start3A_518 = arith.constant 0 : i32
    %dma_start3A_519 = tpu.memref_slice %arg6[%dma_start3A_516, %dma_start3A_517, %dma_start3A_518] : memref<4x128x128xf32, #tpu.memory_space<vmem>> -> memref<1x128x128xf32, #tpu.memory_space<vmem>>
    %dma_start3A_520 = tpu.memref_squeeze %dma_start3A_519 : memref<1x128x128xf32, #tpu.memory_space<vmem>> -> memref<128x128xf32, #tpu.memory_space<vmem>>
    %dma_start3A_521 = arith.constant 0 : i32
    %dma_start3A_522 = tpu.memref_slice %arg5[%dma_start3A_514, %dma_start3A_515, %dma_start3A_521] : memref<4x1x128xi32, #tpu.memory_space<vmem>> -> memref<1x1x128xi32, #tpu.memory_space<vmem>>
    %dma_start3A_523 = tpu.memref_squeeze %dma_start3A_522 : memref<1x1x128xi32, #tpu.memory_space<vmem>> -> memref<128xi32, #tpu.memory_space<vmem>>
    %dma_start3A_524 = arith.constant 0 : i32
    %dma_start3A_525 = arith.constant 0 : i32
    %dma_start3A_526 = tpu.memref_slice %arg3[%dma_start3A_524, %dma_start3A_525] : memref<10000x128xf32, #tpu.memory_space<hbm>> -> memref<10000x128xf32, #tpu.memory_space<hbm>>
    tpu.enqueue_indirect_dma source(%dma_start3A_526 : memref<10000x128xf32, #tpu.memory_space<hbm>>) target(%dma_start3A_520 : memref<128x128xf32, #tpu.memory_space<vmem>>) offsets(%dma_start3A_523 : memref<128xi32, #tpu.memory_space<vmem>>) semaphore(%arg9 : memref<!tpu.dma_semaphore, #tpu.memory_space<semaphore_mem>>)
    %dma_wait3A_527 = arith.constant 1 : i32
    %dma_wait3A_528 = arith.constant 0 : i32
    %dma_wait3A_529 = arith.constant 0 : i32
    %dma_wait3A_530 = tpu.memref_slice %arg6[%dma_wait3A_527, %dma_wait3A_528, %dma_wait3A_529] : memref<4x128x128xf32, #tpu.memory_space<vmem>> -> memref<1x128x128xf32, #tpu.memory_space<vmem>>
    %dma_wait3A_531 = tpu.memref_squeeze %dma_wait3A_530 : memref<1x128x128xf32, #tpu.memory_space<vmem>> -> memref<128x128xf32, #tpu.memory_space<vmem>>
    %dma_wait3A_532 = arith.constant 0 : i32
    %dma_wait3A_533 = arith.constant 0 : i32
    %dma_wait3A_534 = tpu.memref_slice %arg3[%dma_wait3A_532, %dma_wait3A_533] : memref<10000x128xf32, #tpu.memory_space<hbm>> -> memref<128x128xf32, #tpu.memory_space<hbm>>
    %dma_wait3A_535 = arith.constant 0 : i32
    %dma_wait3A_536 = arith.constant 0 : i32
    %dma_wait3A_537 = tpu.memref_slice %arg6[%dma_wait3A_527, %dma_wait3A_535, %dma_wait3A_536] : memref<4x128x128xf32, #tpu.memory_space<vmem>> -> memref<1x128x128xf32, #tpu.memory_space<vmem>>
    %dma_wait3A_538 = tpu.memref_squeeze %dma_wait3A_537 : memref<1x128x128xf32, #tpu.memory_space<vmem>> -> memref<128x128xf32, #tpu.memory_space<vmem>>
    %dma_wait3A_539 = arith.constant 0 : i32
    %dma_wait3A_540 = arith.constant 0 : i32
    %dma_wait3A_541 = tpu.memref_slice %arg3[%dma_wait3A_539, %dma_wait3A_540] : memref<10000x128xf32, #tpu.memory_space<hbm>> -> memref<128x128xf32, #tpu.memory_space<hbm>>
    tpu.wait_dma2 semaphore(%arg8 : memref<!tpu.dma_semaphore, #tpu.memory_space<semaphore_mem>>) src(%dma_wait3A_541 : memref<128x128xf32, #tpu.memory_space<hbm>>) dst(%dma_wait3A_538 : memref<128x128xf32, #tpu.memory_space<vmem>>)
    %add3A_542 = arith.constant 797 : i32
    %add3A_543 = arith.addi %mul3A_2, %add3A_542 : i32
    %mul3A_544 = arith.constant 128 : i32
    %mul3A_545 = arith.muli %add3A_543, %mul3A_544 : i32
    %dma_start3A_546 = arith.constant 1 : i32
    %dma_start3A_547 = arith.constant 0 : i32
    %dma_start3A_548 = arith.constant 0 : i32
    %dma_start3A_549 = tpu.memref_slice %arg6[%dma_start3A_546, %dma_start3A_547, %dma_start3A_548] : memref<4x128x128xf32, #tpu.memory_space<vmem>> -> memref<1x128x128xf32, #tpu.memory_space<vmem>>
    %dma_start3A_550 = tpu.memref_squeeze %dma_start3A_549 : memref<1x128x128xf32, #tpu.memory_space<vmem>> -> memref<128x128xf32, #tpu.memory_space<vmem>>
    %dma_start3A_551 = arith.constant 0 : i32
    %dma_start3A_552 = tpu.memref_slice %arg4[%mul3A_545, %dma_start3A_551] : memref<3276800x128xf32, #tpu.memory_space<hbm>> -> memref<128x128xf32, #tpu.memory_space<hbm>>
    %dma_start3A_553 = arith.constant 0 : i32
    %dma_start3A_554 = tpu.memref_slice %arg4[%mul3A_545, %dma_start3A_553] : memref<3276800x128xf32, #tpu.memory_space<hbm>> -> memref<128x128xf32, #tpu.memory_space<hbm>>
    %dma_start3A_555 = arith.constant 0 : i32
    %dma_start3A_556 = arith.constant 0 : i32
    %dma_start3A_557 = tpu.memref_slice %arg6[%dma_start3A_546, %dma_start3A_555, %dma_start3A_556] : memref<4x128x128xf32, #tpu.memory_space<vmem>> -> memref<1x128x128xf32, #tpu.memory_space<vmem>>
    %dma_start3A_558 = tpu.memref_squeeze %dma_start3A_557 : memref<1x128x128xf32, #tpu.memory_space<vmem>> -> memref<128x128xf32, #tpu.memory_space<vmem>>
    tpu.enqueue_dma source(%dma_start3A_558 : memref<128x128xf32, #tpu.memory_space<vmem>>) target(%dma_start3A_554 : memref<128x128xf32, #tpu.memory_space<hbm>>) target_semaphore(%arg12 : memref<!tpu.dma_semaphore, #tpu.memory_space<semaphore_mem>>)
    %dma_wait3A_559 = arith.constant 3 : i32
    %dma_wait3A_560 = arith.constant 0 : i32
    %dma_wait3A_561 = arith.constant 0 : i32
    %dma_wait3A_562 = tpu.memref_slice %arg6[%dma_wait3A_559, %dma_wait3A_560, %dma_wait3A_561] : memref<4x128x128xf32, #tpu.memory_space<vmem>> -> memref<1x128x128xf32, #tpu.memory_space<vmem>>
    %dma_wait3A_563 = tpu.memref_squeeze %dma_wait3A_562 : memref<1x128x128xf32, #tpu.memory_space<vmem>> -> memref<128x128xf32, #tpu.memory_space<vmem>>
    %dma_wait3A_564 = arith.constant 0 : i32
    %dma_wait3A_565 = arith.constant 0 : i32
    %dma_wait3A_566 = tpu.memref_slice %arg4[%dma_wait3A_564, %dma_wait3A_565] : memref<3276800x128xf32, #tpu.memory_space<hbm>> -> memref<128x128xf32, #tpu.memory_space<hbm>>
    %dma_wait3A_567 = arith.constant 0 : i32
    %dma_wait3A_568 = arith.constant 0 : i32
    %dma_wait3A_569 = tpu.memref_slice %arg4[%dma_wait3A_567, %dma_wait3A_568] : memref<3276800x128xf32, #tpu.memory_space<hbm>> -> memref<128x128xf32, #tpu.memory_space<hbm>>
    %dma_wait3A_570 = arith.constant 0 : i32
    %dma_wait3A_571 = arith.constant 0 : i32
    %dma_wait3A_572 = tpu.memref_slice %arg6[%dma_wait3A_559, %dma_wait3A_570, %dma_wait3A_571] : memref<4x128x128xf32, #tpu.memory_space<vmem>> -> memref<1x128x128xf32, #tpu.memory_space<vmem>>
    %dma_wait3A_573 = tpu.memref_squeeze %dma_wait3A_572 : memref<1x128x128xf32, #tpu.memory_space<vmem>> -> memref<128x128xf32, #tpu.memory_space<vmem>>
    tpu.wait_dma2 semaphore(%arg14 : memref<!tpu.dma_semaphore, #tpu.memory_space<semaphore_mem>>) src(%dma_wait3A_573 : memref<128x128xf32, #tpu.memory_space<vmem>>) dst(%dma_wait3A_569 : memref<128x128xf32, #tpu.memory_space<hbm>>)
    %dma_wait3A_574 = arith.constant 3 : i32
    %dma_wait3A_575 = arith.constant 0 : i32
    %dma_wait3A_576 = arith.constant 0 : i32
    %dma_wait3A_577 = tpu.memref_slice %arg5[%dma_wait3A_574, %dma_wait3A_575, %dma_wait3A_576] : memref<4x1x128xi32, #tpu.memory_space<vmem>> -> memref<1x1x128xi32, #tpu.memory_space<vmem>>
    %dma_wait3A_578 = tpu.memref_squeeze %dma_wait3A_577 : memref<1x1x128xi32, #tpu.memory_space<vmem>> -> memref<1x128xi32, #tpu.memory_space<vmem>>
    %dma_wait3A_579 = arith.constant 0 : i32
    %dma_wait3A_580 = arith.constant 0 : i32
    %dma_wait3A_581 = tpu.memref_slice %arg2[%dma_wait3A_579, %dma_wait3A_580] : memref<25600x128xi32, #tpu.memory_space<hbm>> -> memref<1x128xi32, #tpu.memory_space<hbm>>
    %dma_wait3A_582 = arith.constant 0 : i32
    %dma_wait3A_583 = arith.constant 0 : i32
    %dma_wait3A_584 = tpu.memref_slice %arg5[%dma_wait3A_574, %dma_wait3A_582, %dma_wait3A_583] : memref<4x1x128xi32, #tpu.memory_space<vmem>> -> memref<1x1x128xi32, #tpu.memory_space<vmem>>
    %dma_wait3A_585 = tpu.memref_squeeze %dma_wait3A_584 : memref<1x1x128xi32, #tpu.memory_space<vmem>> -> memref<1x128xi32, #tpu.memory_space<vmem>>
    %dma_wait3A_586 = arith.constant 0 : i32
    %dma_wait3A_587 = arith.constant 0 : i32
    %dma_wait3A_588 = tpu.memref_slice %arg2[%dma_wait3A_586, %dma_wait3A_587] : memref<25600x128xi32, #tpu.memory_space<hbm>> -> memref<1x128xi32, #tpu.memory_space<hbm>>
    tpu.wait_dma2 semaphore(%arg18 : memref<!tpu.dma_semaphore, #tpu.memory_space<semaphore_mem>>) src(%dma_wait3A_588 : memref<1x128xi32, #tpu.memory_space<hbm>>) dst(%dma_wait3A_585 : memref<1x128xi32, #tpu.memory_space<vmem>>)
    %dma_start3A_589 = arith.constant 3 : i32
    %dma_start3A_590 = arith.constant 0 : i32
    %dma_start3A_591 = arith.constant 3 : i32
    %dma_start3A_592 = arith.constant 0 : i32
    %dma_start3A_593 = arith.constant 0 : i32
    %dma_start3A_594 = tpu.memref_slice %arg6[%dma_start3A_591, %dma_start3A_592, %dma_start3A_593] : memref<4x128x128xf32, #tpu.memory_space<vmem>> -> memref<1x128x128xf32, #tpu.memory_space<vmem>>
    %dma_start3A_595 = tpu.memref_squeeze %dma_start3A_594 : memref<1x128x128xf32, #tpu.memory_space<vmem>> -> memref<128x128xf32, #tpu.memory_space<vmem>>
    %dma_start3A_596 = arith.constant 0 : i32
    %dma_start3A_597 = tpu.memref_slice %arg5[%dma_start3A_589, %dma_start3A_590, %dma_start3A_596] : memref<4x1x128xi32, #tpu.memory_space<vmem>> -> memref<1x1x128xi32, #tpu.memory_space<vmem>>
    %dma_start3A_598 = tpu.memref_squeeze %dma_start3A_597 : memref<1x1x128xi32, #tpu.memory_space<vmem>> -> memref<128xi32, #tpu.memory_space<vmem>>
    %dma_start3A_599 = arith.constant 0 : i32
    %dma_start3A_600 = arith.constant 0 : i32
    %dma_start3A_601 = tpu.memref_slice %arg3[%dma_start3A_599, %dma_start3A_600] : memref<10000x128xf32, #tpu.memory_space<hbm>> -> memref<10000x128xf32, #tpu.memory_space<hbm>>
    tpu.enqueue_indirect_dma source(%dma_start3A_601 : memref<10000x128xf32, #tpu.memory_space<hbm>>) target(%dma_start3A_595 : memref<128x128xf32, #tpu.memory_space<vmem>>) offsets(%dma_start3A_598 : memref<128xi32, #tpu.memory_space<vmem>>) semaphore(%arg10 : memref<!tpu.dma_semaphore, #tpu.memory_space<semaphore_mem>>)
    %dma_wait3A_602 = arith.constant 2 : i32
    %dma_wait3A_603 = arith.constant 0 : i32
    %dma_wait3A_604 = arith.constant 0 : i32
    %dma_wait3A_605 = tpu.memref_slice %arg6[%dma_wait3A_602, %dma_wait3A_603, %dma_wait3A_604] : memref<4x128x128xf32, #tpu.memory_space<vmem>> -> memref<1x128x128xf32, #tpu.memory_space<vmem>>
    %dma_wait3A_606 = tpu.memref_squeeze %dma_wait3A_605 : memref<1x128x128xf32, #tpu.memory_space<vmem>> -> memref<128x128xf32, #tpu.memory_space<vmem>>
    %dma_wait3A_607 = arith.constant 0 : i32
    %dma_wait3A_608 = arith.constant 0 : i32
    %dma_wait3A_609 = tpu.memref_slice %arg3[%dma_wait3A_607, %dma_wait3A_608] : memref<10000x128xf32, #tpu.memory_space<hbm>> -> memref<128x128xf32, #tpu.memory_space<hbm>>
    %dma_wait3A_610 = arith.constant 0 : i32
    %dma_wait3A_611 = arith.constant 0 : i32
    %dma_wait3A_612 = tpu.memref_slice %arg6[%dma_wait3A_602, %dma_wait3A_610, %dma_wait3A_611] : memref<4x128x128xf32, #tpu.memory_space<vmem>> -> memref<1x128x128xf32, #tpu.memory_space<vmem>>
    %dma_wait3A_613 = tpu.memref_squeeze %dma_wait3A_612 : memref<1x128x128xf32, #tpu.memory_space<vmem>> -> memref<128x128xf32, #tpu.memory_space<vmem>>
    %dma_wait3A_614 = arith.constant 0 : i32
    %dma_wait3A_615 = arith.constant 0 : i32
    %dma_wait3A_616 = tpu.memref_slice %arg3[%dma_wait3A_614, %dma_wait3A_615] : memref<10000x128xf32, #tpu.memory_space<hbm>> -> memref<128x128xf32, #tpu.memory_space<hbm>>
    tpu.wait_dma2 semaphore(%arg9 : memref<!tpu.dma_semaphore, #tpu.memory_space<semaphore_mem>>) src(%dma_wait3A_616 : memref<128x128xf32, #tpu.memory_space<hbm>>) dst(%dma_wait3A_613 : memref<128x128xf32, #tpu.memory_space<vmem>>)
    %add3A_617 = arith.constant 798 : i32
    %add3A_618 = arith.addi %mul3A_2, %add3A_617 : i32
    %mul3A_619 = arith.constant 128 : i32
    %mul3A_620 = arith.muli %add3A_618, %mul3A_619 : i32
    %dma_start3A_621 = arith.constant 2 : i32
    %dma_start3A_622 = arith.constant 0 : i32
    %dma_start3A_623 = arith.constant 0 : i32
    %dma_start3A_624 = tpu.memref_slice %arg6[%dma_start3A_621, %dma_start3A_622, %dma_start3A_623] : memref<4x128x128xf32, #tpu.memory_space<vmem>> -> memref<1x128x128xf32, #tpu.memory_space<vmem>>
    %dma_start3A_625 = tpu.memref_squeeze %dma_start3A_624 : memref<1x128x128xf32, #tpu.memory_space<vmem>> -> memref<128x128xf32, #tpu.memory_space<vmem>>
    %dma_start3A_626 = arith.constant 0 : i32
    %dma_start3A_627 = tpu.memref_slice %arg4[%mul3A_620, %dma_start3A_626] : memref<3276800x128xf32, #tpu.memory_space<hbm>> -> memref<128x128xf32, #tpu.memory_space<hbm>>
    %dma_start3A_628 = arith.constant 0 : i32
    %dma_start3A_629 = tpu.memref_slice %arg4[%mul3A_620, %dma_start3A_628] : memref<3276800x128xf32, #tpu.memory_space<hbm>> -> memref<128x128xf32, #tpu.memory_space<hbm>>
    %dma_start3A_630 = arith.constant 0 : i32
    %dma_start3A_631 = arith.constant 0 : i32
    %dma_start3A_632 = tpu.memref_slice %arg6[%dma_start3A_621, %dma_start3A_630, %dma_start3A_631] : memref<4x128x128xf32, #tpu.memory_space<vmem>> -> memref<1x128x128xf32, #tpu.memory_space<vmem>>
    %dma_start3A_633 = tpu.memref_squeeze %dma_start3A_632 : memref<1x128x128xf32, #tpu.memory_space<vmem>> -> memref<128x128xf32, #tpu.memory_space<vmem>>
    tpu.enqueue_dma source(%dma_start3A_633 : memref<128x128xf32, #tpu.memory_space<vmem>>) target(%dma_start3A_629 : memref<128x128xf32, #tpu.memory_space<hbm>>) target_semaphore(%arg13 : memref<!tpu.dma_semaphore, #tpu.memory_space<semaphore_mem>>)
    %dma_wait3A_634 = arith.constant 0 : i32
    %dma_wait3A_635 = arith.constant 0 : i32
    %dma_wait3A_636 = arith.constant 0 : i32
    %dma_wait3A_637 = tpu.memref_slice %arg6[%dma_wait3A_634, %dma_wait3A_635, %dma_wait3A_636] : memref<4x128x128xf32, #tpu.memory_space<vmem>> -> memref<1x128x128xf32, #tpu.memory_space<vmem>>
    %dma_wait3A_638 = tpu.memref_squeeze %dma_wait3A_637 : memref<1x128x128xf32, #tpu.memory_space<vmem>> -> memref<128x128xf32, #tpu.memory_space<vmem>>
    %dma_wait3A_639 = arith.constant 0 : i32
    %dma_wait3A_640 = arith.constant 0 : i32
    %dma_wait3A_641 = tpu.memref_slice %arg4[%dma_wait3A_639, %dma_wait3A_640] : memref<3276800x128xf32, #tpu.memory_space<hbm>> -> memref<128x128xf32, #tpu.memory_space<hbm>>
    %dma_wait3A_642 = arith.constant 0 : i32
    %dma_wait3A_643 = arith.constant 0 : i32
    %dma_wait3A_644 = tpu.memref_slice %arg4[%dma_wait3A_642, %dma_wait3A_643] : memref<3276800x128xf32, #tpu.memory_space<hbm>> -> memref<128x128xf32, #tpu.memory_space<hbm>>
    %dma_wait3A_645 = arith.constant 0 : i32
    %dma_wait3A_646 = arith.constant 0 : i32
    %dma_wait3A_647 = tpu.memref_slice %arg6[%dma_wait3A_634, %dma_wait3A_645, %dma_wait3A_646] : memref<4x128x128xf32, #tpu.memory_space<vmem>> -> memref<1x128x128xf32, #tpu.memory_space<vmem>>
    %dma_wait3A_648 = tpu.memref_squeeze %dma_wait3A_647 : memref<1x128x128xf32, #tpu.memory_space<vmem>> -> memref<128x128xf32, #tpu.memory_space<vmem>>
    tpu.wait_dma2 semaphore(%arg11 : memref<!tpu.dma_semaphore, #tpu.memory_space<semaphore_mem>>) src(%dma_wait3A_648 : memref<128x128xf32, #tpu.memory_space<vmem>>) dst(%dma_wait3A_644 : memref<128x128xf32, #tpu.memory_space<hbm>>)
    %dma_wait3A_649 = arith.constant 3 : i32
    %dma_wait3A_650 = arith.constant 0 : i32
    %dma_wait3A_651 = arith.constant 0 : i32
    %dma_wait3A_652 = tpu.memref_slice %arg6[%dma_wait3A_649, %dma_wait3A_650, %dma_wait3A_651] : memref<4x128x128xf32, #tpu.memory_space<vmem>> -> memref<1x128x128xf32, #tpu.memory_space<vmem>>
    %dma_wait3A_653 = tpu.memref_squeeze %dma_wait3A_652 : memref<1x128x128xf32, #tpu.memory_space<vmem>> -> memref<128x128xf32, #tpu.memory_space<vmem>>
    %dma_wait3A_654 = arith.constant 0 : i32
    %dma_wait3A_655 = arith.constant 0 : i32
    %dma_wait3A_656 = tpu.memref_slice %arg3[%dma_wait3A_654, %dma_wait3A_655] : memref<10000x128xf32, #tpu.memory_space<hbm>> -> memref<128x128xf32, #tpu.memory_space<hbm>>
    %dma_wait3A_657 = arith.constant 0 : i32
    %dma_wait3A_658 = arith.constant 0 : i32
    %dma_wait3A_659 = tpu.memref_slice %arg6[%dma_wait3A_649, %dma_wait3A_657, %dma_wait3A_658] : memref<4x128x128xf32, #tpu.memory_space<vmem>> -> memref<1x128x128xf32, #tpu.memory_space<vmem>>
    %dma_wait3A_660 = tpu.memref_squeeze %dma_wait3A_659 : memref<1x128x128xf32, #tpu.memory_space<vmem>> -> memref<128x128xf32, #tpu.memory_space<vmem>>
    %dma_wait3A_661 = arith.constant 0 : i32
    %dma_wait3A_662 = arith.constant 0 : i32
    %dma_wait3A_663 = tpu.memref_slice %arg3[%dma_wait3A_661, %dma_wait3A_662] : memref<10000x128xf32, #tpu.memory_space<hbm>> -> memref<128x128xf32, #tpu.memory_space<hbm>>
    tpu.wait_dma2 semaphore(%arg10 : memref<!tpu.dma_semaphore, #tpu.memory_space<semaphore_mem>>) src(%dma_wait3A_663 : memref<128x128xf32, #tpu.memory_space<hbm>>) dst(%dma_wait3A_660 : memref<128x128xf32, #tpu.memory_space<vmem>>)
    %add3A_664 = arith.constant 799 : i32
    %add3A_665 = arith.addi %mul3A_2, %add3A_664 : i32
    %mul3A_666 = arith.constant 128 : i32
    %mul3A_667 = arith.muli %add3A_665, %mul3A_666 : i32
    %dma_start3A_668 = arith.constant 3 : i32
    %dma_start3A_669 = arith.constant 0 : i32
    %dma_start3A_670 = arith.constant 0 : i32
    %dma_start3A_671 = tpu.memref_slice %arg6[%dma_start3A_668, %dma_start3A_669, %dma_start3A_670] : memref<4x128x128xf32, #tpu.memory_space<vmem>> -> memref<1x128x128xf32, #tpu.memory_space<vmem>>
    %dma_start3A_672 = tpu.memref_squeeze %dma_start3A_671 : memref<1x128x128xf32, #tpu.memory_space<vmem>> -> memref<128x128xf32, #tpu.memory_space<vmem>>
    %dma_start3A_673 = arith.constant 0 : i32
    %dma_start3A_674 = tpu.memref_slice %arg4[%mul3A_667, %dma_start3A_673] : memref<3276800x128xf32, #tpu.memory_space<hbm>> -> memref<128x128xf32, #tpu.memory_space<hbm>>
    %dma_start3A_675 = arith.constant 0 : i32
    %dma_start3A_676 = tpu.memref_slice %arg4[%mul3A_667, %dma_start3A_675] : memref<3276800x128xf32, #tpu.memory_space<hbm>> -> memref<128x128xf32, #tpu.memory_space<hbm>>
    %dma_start3A_677 = arith.constant 0 : i32
    %dma_start3A_678 = arith.constant 0 : i32
    %dma_start3A_679 = tpu.memref_slice %arg6[%dma_start3A_668, %dma_start3A_677, %dma_start3A_678] : memref<4x128x128xf32, #tpu.memory_space<vmem>> -> memref<1x128x128xf32, #tpu.memory_space<vmem>>
    %dma_start3A_680 = tpu.memref_squeeze %dma_start3A_679 : memref<1x128x128xf32, #tpu.memory_space<vmem>> -> memref<128x128xf32, #tpu.memory_space<vmem>>
    tpu.enqueue_dma source(%dma_start3A_680 : memref<128x128xf32, #tpu.memory_space<vmem>>) target(%dma_start3A_676 : memref<128x128xf32, #tpu.memory_space<hbm>>) target_semaphore(%arg14 : memref<!tpu.dma_semaphore, #tpu.memory_space<semaphore_mem>>)
    %dma_wait3A_681 = arith.constant 1 : i32
    %dma_wait3A_682 = arith.constant 0 : i32
    %dma_wait3A_683 = arith.constant 0 : i32
    %dma_wait3A_684 = tpu.memref_slice %arg6[%dma_wait3A_681, %dma_wait3A_682, %dma_wait3A_683] : memref<4x128x128xf32, #tpu.memory_space<vmem>> -> memref<1x128x128xf32, #tpu.memory_space<vmem>>
    %dma_wait3A_685 = tpu.memref_squeeze %dma_wait3A_684 : memref<1x128x128xf32, #tpu.memory_space<vmem>> -> memref<128x128xf32, #tpu.memory_space<vmem>>
    %dma_wait3A_686 = arith.constant 0 : i32
    %dma_wait3A_687 = arith.constant 0 : i32
    %dma_wait3A_688 = tpu.memref_slice %arg4[%dma_wait3A_686, %dma_wait3A_687] : memref<3276800x128xf32, #tpu.memory_space<hbm>> -> memref<128x128xf32, #tpu.memory_space<hbm>>
    %dma_wait3A_689 = arith.constant 0 : i32
    %dma_wait3A_690 = arith.constant 0 : i32
    %dma_wait3A_691 = tpu.memref_slice %arg4[%dma_wait3A_689, %dma_wait3A_690] : memref<3276800x128xf32, #tpu.memory_space<hbm>> -> memref<128x128xf32, #tpu.memory_space<hbm>>
    %dma_wait3A_692 = arith.constant 0 : i32
    %dma_wait3A_693 = arith.constant 0 : i32
    %dma_wait3A_694 = tpu.memref_slice %arg6[%dma_wait3A_681, %dma_wait3A_692, %dma_wait3A_693] : memref<4x128x128xf32, #tpu.memory_space<vmem>> -> memref<1x128x128xf32, #tpu.memory_space<vmem>>
    %dma_wait3A_695 = tpu.memref_squeeze %dma_wait3A_694 : memref<1x128x128xf32, #tpu.memory_space<vmem>> -> memref<128x128xf32, #tpu.memory_space<vmem>>
    tpu.wait_dma2 semaphore(%arg12 : memref<!tpu.dma_semaphore, #tpu.memory_space<semaphore_mem>>) src(%dma_wait3A_695 : memref<128x128xf32, #tpu.memory_space<vmem>>) dst(%dma_wait3A_691 : memref<128x128xf32, #tpu.memory_space<hbm>>)
    %dma_wait3A_696 = arith.constant 2 : i32
    %dma_wait3A_697 = arith.constant 0 : i32
    %dma_wait3A_698 = arith.constant 0 : i32
    %dma_wait3A_699 = tpu.memref_slice %arg6[%dma_wait3A_696, %dma_wait3A_697, %dma_wait3A_698] : memref<4x128x128xf32, #tpu.memory_space<vmem>> -> memref<1x128x128xf32, #tpu.memory_space<vmem>>
    %dma_wait3A_700 = tpu.memref_squeeze %dma_wait3A_699 : memref<1x128x128xf32, #tpu.memory_space<vmem>> -> memref<128x128xf32, #tpu.memory_space<vmem>>
    %dma_wait3A_701 = arith.constant 0 : i32
    %dma_wait3A_702 = arith.constant 0 : i32
    %dma_wait3A_703 = tpu.memref_slice %arg4[%dma_wait3A_701, %dma_wait3A_702] : memref<3276800x128xf32, #tpu.memory_space<hbm>> -> memref<128x128xf32, #tpu.memory_space<hbm>>
    %dma_wait3A_704 = arith.constant 0 : i32
    %dma_wait3A_705 = arith.constant 0 : i32
    %dma_wait3A_706 = tpu.memref_slice %arg4[%dma_wait3A_704, %dma_wait3A_705] : memref<3276800x128xf32, #tpu.memory_space<hbm>> -> memref<128x128xf32, #tpu.memory_space<hbm>>
    %dma_wait3A_707 = arith.constant 0 : i32
    %dma_wait3A_708 = arith.constant 0 : i32
    %dma_wait3A_709 = tpu.memref_slice %arg6[%dma_wait3A_696, %dma_wait3A_707, %dma_wait3A_708] : memref<4x128x128xf32, #tpu.memory_space<vmem>> -> memref<1x128x128xf32, #tpu.memory_space<vmem>>
    %dma_wait3A_710 = tpu.memref_squeeze %dma_wait3A_709 : memref<1x128x128xf32, #tpu.memory_space<vmem>> -> memref<128x128xf32, #tpu.memory_space<vmem>>
    tpu.wait_dma2 semaphore(%arg13 : memref<!tpu.dma_semaphore, #tpu.memory_space<semaphore_mem>>) src(%dma_wait3A_710 : memref<128x128xf32, #tpu.memory_space<vmem>>) dst(%dma_wait3A_706 : memref<128x128xf32, #tpu.memory_space<hbm>>)
    %dma_wait3A_711 = arith.constant 3 : i32
    %dma_wait3A_712 = arith.constant 0 : i32
    %dma_wait3A_713 = arith.constant 0 : i32
    %dma_wait3A_714 = tpu.memref_slice %arg6[%dma_wait3A_711, %dma_wait3A_712, %dma_wait3A_713] : memref<4x128x128xf32, #tpu.memory_space<vmem>> -> memref<1x128x128xf32, #tpu.memory_space<vmem>>
    %dma_wait3A_715 = tpu.memref_squeeze %dma_wait3A_714 : memref<1x128x128xf32, #tpu.memory_space<vmem>> -> memref<128x128xf32, #tpu.memory_space<vmem>>
    %dma_wait3A_716 = arith.constant 0 : i32
    %dma_wait3A_717 = arith.constant 0 : i32
    %dma_wait3A_718 = tpu.memref_slice %arg4[%dma_wait3A_716, %dma_wait3A_717] : memref<3276800x128xf32, #tpu.memory_space<hbm>> -> memref<128x128xf32, #tpu.memory_space<hbm>>
    %dma_wait3A_719 = arith.constant 0 : i32
    %dma_wait3A_720 = arith.constant 0 : i32
    %dma_wait3A_721 = tpu.memref_slice %arg4[%dma_wait3A_719, %dma_wait3A_720] : memref<3276800x128xf32, #tpu.memory_space<hbm>> -> memref<128x128xf32, #tpu.memory_space<hbm>>
    %dma_wait3A_722 = arith.constant 0 : i32
    %dma_wait3A_723 = arith.constant 0 : i32
    %dma_wait3A_724 = tpu.memref_slice %arg6[%dma_wait3A_711, %dma_wait3A_722, %dma_wait3A_723] : memref<4x128x128xf32, #tpu.memory_space<vmem>> -> memref<1x128x128xf32, #tpu.memory_space<vmem>>
    %dma_wait3A_725 = tpu.memref_squeeze %dma_wait3A_724 : memref<1x128x128xf32, #tpu.memory_space<vmem>> -> memref<128x128xf32, #tpu.memory_space<vmem>>
    tpu.wait_dma2 semaphore(%arg14 : memref<!tpu.dma_semaphore, #tpu.memory_space<semaphore_mem>>) src(%dma_wait3A_725 : memref<128x128xf32, #tpu.memory_space<vmem>>) dst(%dma_wait3A_721 : memref<128x128xf32, #tpu.memory_space<hbm>>)
    return
  }
}

</mosaic_0001>

<sc_bundles>
// kernel: kernel.3.cloned.1.call-start
scs
__scs_entry_jumppad:
0x0: {  	(pc) =	sbr.rel $0x88, $3  }
0x1: {  	(tag) =	ssettag $0x0;
	lr =	simm.s32 $0x1  }
0x2: {  	[smem:$0x3F9F] =	sst lr;
	_ =	strace $0xD0000000  }
0x3: {  	_ = 	snop  }
0x4: {  	_ = 	snop  }
0x5: {  	_ = 	snop  }
0x6: {  	_ = 	snop  }
0x7: {  	_ = 	snop  }
__scs_overlays_trampoline_lowered:
0x8: {  	[smem:$0x3FAE] =	sst s0  }
0x9: {  	[smem:$0x3FAF] =	sst s1  }
0xa: {  	[smem:$0x3FB0] =	sst s2  }
0xb: {  	[smem:$0x3FB1] =	sst s3  }
0xc: {  	[smem:$0x3FB2] =	sst s4  }
0xd: {  	[smem:$0x3FB3] =	sst s5  }
0xe: {  	[smem:$0x3FB4] =	sst s6  }
0xf: {  	[smem:$0x3FB5] =	sst s7  }
0x10: {  	[smem:$0x3FB6] =	sst s8  }
0x11: {  	[smem:$0x3FB7] =	sst s9;
	s0 =	simm.s32 @!p0 $0x0  }
0x12: {  	s1 =	sld [smem:$0x3F9D];
	s0 =	simm.s32 @p0 $0x1  }
0x13: {  	[smem:$0x3FB8] =	sst s0;
	s0 =	simm.s32 @!p1 $0x0  }
0x14: {  	s2 =	sld [smem:$0x3F9C];
	s0 =	simm.s32 @p1 $0x1  }
0x15: {  	[smem:$0x3FB9] =	sst s0;
	s0 =	simm.s32 @!p2 $0x0  }
0x16: {  	s3 =	sld [smem:$0x3FDB];
	s0 =	simm.s32 @p2 $0x1  }
0x17: {  	s4 =	simm.s32 $0x1BF5;
	[smem:$0x3FBB] =	sst s0  }
0x18: {  	s0 =	sld [smem:$0x3F9E];
	_ =	swait.ge [sflag:s4], $0x0  }
0x19: {  	s7 =	sld [smem:$0x3F9F]  }
0x1a: {  	s8 =	sadd.s32 $0xFFFFE003, lr  }
0x1b: {  	s9 =	sadd.s32 $0xFFFFFEF7, lr;
	s5 =	simm.s32 $0xFFFFFFFF;
	p2 =	slt.u32 s8, $0xFFFFF086  }
0x1c: {  	p1 =	slt.u32 s9, $0xF7A;
	s5 =	simm.s32 @!p2 $0x0  }
0x1d: {  	s5 =	simm.s32 @p1 $0x1;
	p0 =	seq.s32 s7, s2  }
0x1e: {  	s7 =	smul.u32 @!p0 $0xF7A, s2;
	p2 =	seq.s32 @!p0 s5, $0x0  }
0x1f: {  	s9 =	smul.u32 $0xF7A, s1;
	s8 =	simm.s32 @!p0 $0x1BF5;
	p2 =	por !p2, p0  }
0x20: {  	[sflag:s8] =	ssyncset.s32 @!p0 $0xFFFFF086;
	s6 =	sadd.s32 @!p0 s3, s7;
	s7 =	simm.s32 @!p0 $0x108  }
0x21: {  	s3 =	sadd.s32 s3, s9;
	s6 =	sadd.s32 @!p0 $0x88, s6;
	s7 =	simm.s32 @p2 $0x1082  }
0x22: {  	[simem:s7], [sflag:s8] =	dma.local @!p0 [hbm:s6], $0xF7A  }
0x23: {  	s9 =	sor.u32 $0xD0000000, s2;
	s6 =	simm.s32 $0x108;
	_ =	swait.ge @!p0 [sflag:s8], $0x0  }
0x24: {  	s3 =	sadd.s32 $0x88, s3;
	s6 =	simm.s32 @!p1 $0x1082;
	[sflag:s4] =	ssyncset.s32 $0xFFFFF086  }
0x25: {  	[simem:s6], [sflag:s4] =	dma.local [hbm:s3], $0xF7A  }
0x26: {  	[smem:$0x3F9F] =	sst s1;
	(tag) =	ssettag s2;
	_ =	strace s9  }
0x27: {  	s1 =	sld [smem:$0x3FAF]  }
0x28: {  	s2 =	sld [smem:$0x3FB0]  }
0x29: {  	s4 =	sld [smem:$0x3FB2]  }
0x2a: {  	p0 =	seq.s32 s5, $0x0;
	s5 =	sld [smem:$0x3FB3]  }
0x2b: {  	s6 =	sld [smem:$0x3FB4]  }
0x2c: {  	s7 =	sld [smem:$0x3FB5]  }
0x2d: {  	s3 =	simm.s32 $0x108;
	s8 =	sld [smem:$0x3FB6]  }
0x2e: {  	s3 =	simm.s32 @!p0 $0x1082;
	s9 =	sld [smem:$0x3FB7]  }
0x2f: {  	lr =	sadd.s32 s0, s3;
	s0 =	sld [smem:$0x3FAE]  }
0x30: {  	s3 =	sld [smem:$0x3FB1]  }
0x31: {  	[smem:$0x3FBA] =	sst s10  }
0x32: {  	s10 =	sld [smem:$0x3FB8];
	_ =	sdelay $0x3  }
0x33: {  	p0 =	seq.s32 s10, $0x1;
	s10 =	sld [smem:$0x3FBA];
	_ =	sdelay $0x3  }
0x34: {  	[smem:$0x3FBA] =	sst s10  }
0x35: {  	s10 =	sld [smem:$0x3FB9];
	_ =	sdelay $0x3  }
0x36: {  	p1 =	seq.s32 s10, $0x1;
	s10 =	sld [smem:$0x3FBA];
	_ =	sdelay $0x3  }
0x37: {  	[smem:$0x3FBA] =	sst s10  }
0x38: {  	s10 =	sld [smem:$0x3FBB]  }
0x39: {  	_ = 	snop;
	(pc) =	sbr.ind lr, $3  }
0x3a: {  	_ = 	snop  }
0x3b: {  	_ = 	snop  }
0x3c: {  	p2 =	seq.s32 s10, $0x1;
	s10 =	sld [smem:$0x3FBA]  }
0x3d: {  	_ =	shalt  }
0x3e: {  	_ =	shalt  }
0x3f: {  	_ =	shalt  }
0x40: {  	_ =	shalt  }
0x41: {  	_ =	shalt  }
0x42: {  	_ =	shalt  }
0x43: {  	_ =	shalt  }
0x44: {  	_ =	shalt  }
0x45: {  	_ =	shalt  }
0x46: {  	_ =	shalt  }
0x47: {  	_ =	shalt  }
0x48: {  	_ =	shalt  }
0x49: {  	_ =	shalt  }
0x4a: {  	_ =	shalt  }
0x4b: {  	_ =	shalt  }
0x4c: {  	_ =	shalt  }
0x4d: {  	_ =	shalt  }
0x4e: {  	_ =	shalt  }
0x4f: {  	_ =	shalt  }
0x50: {  	_ =	shalt  }
0x51: {  	_ =	shalt  }
0x52: {  	_ =	shalt  }
0x53: {  	_ =	shalt  }
0x54: {  	_ =	shalt  }
0x55: {  	_ =	shalt  }
0x56: {  	_ =	shalt  }
0x57: {  	_ =	shalt  }
0x58: {  	_ =	shalt  }
0x59: {  	_ =	shalt  }
0x5a: {  	_ =	shalt  }
0x5b: {  	_ =	shalt  }
0x5c: {  	_ =	shalt  }
0x5d: {  	_ =	shalt  }
0x5e: {  	_ =	shalt  }
0x5f: {  	_ =	shalt  }
0x60: {  	_ =	shalt  }
0x61: {  	_ =	shalt  }
0x62: {  	_ =	shalt  }
0x63: {  	_ =	shalt  }
0x64: {  	_ =	shalt  }
0x65: {  	_ =	shalt  }
0x66: {  	_ =	shalt  }
0x67: {  	_ =	shalt  }
0x68: {  	_ =	shalt  }
0x69: {  	_ =	shalt  }
0x6a: {  	_ =	shalt  }
0x6b: {  	_ =	shalt  }
0x6c: {  	_ =	shalt  }
0x6d: {  	_ =	shalt  }
0x6e: {  	_ =	shalt  }
0x6f: {  	_ =	shalt  }
0x70: {  	_ =	shalt  }
0x71: {  	_ =	shalt  }
0x72: {  	_ =	shalt  }
0x73: {  	_ =	shalt  }
0x74: {  	_ =	shalt  }
0x75: {  	_ =	shalt  }
0x76: {  	_ =	shalt  }
0x77: {  	_ =	shalt  }
0x78: {  	_ =	shalt  }
0x79: {  	_ =	shalt  }
0x7a: {  	_ =	shalt  }
0x7b: {  	_ =	shalt  }
0x7c: {  	_ =	shalt  }
0x7d: {  	_ =	shalt  }
0x7e: {  	_ =	shalt  }
0x7f: {  	_ =	shalt  }
0x80: {  	_ =	shalt  }
0x81: {  	_ =	shalt  }
0x82: {  	_ =	shalt  }
0x83: {  	_ =	shalt  }
0x84: {  	_ =	shalt  }
0x85: {  	_ =	shalt  }
0x86: {  	_ =	shalt  }
0x87: {  	_ =	shalt  }
.Lfunc_end0:
.L_simem_size_0:
called_computation.1_lowered:
.L_overlay_start_0:
0x88: {  	s2 =	sld [smem:$0x3FD9]  }
0x89: {  	s3 =	sld [smem:$0x3FFE];
	_ =	sdelay $0x1  }
0x8a: {  	s1 =	srdreg.scid  }
0x8b: {  	s0 =	sand.u32 $0x1, s1  }
0x8c: {  	s17 =	sshll.u32 s0, $0xA;
	s2 =	sadd.s32 s3, s2  }
0x8d: {  	s2 =	sadd.s32 s2, s17  }
0x8e: {  	[smem:$0x3FC6] =	sst s2  }
0x8f: {  	_ = 	snop  }
0x90: {  	s2 =	sld [smem:$0x3FD0];
	(tm) =	ssettm $0x1  }
0x91: {  	s18 =	sld [smem:$0x3FFB];
	_ =	sdelay $0x3  }
0x92: {  	_ =	strace s18  }
0x93: {  	s3 =	sld [smem:$0x3FFC];
	_ =	sdelay $0x3  }
0x94: {  	_ =	strace s3  }
0x95: {  	s3 =	sld [smem:$0x3FFD];
	_ =	sdelay $0x3  }
0x96: {  	_ =	strace s3  }
0x97: {  	_ =	strace $0x8FFFFFFF  }
0x98: {  	s19 =	sld [smem:$0x3FDB];
	_ =	sdelay $0x1  }
0x99: {  	s4 =	simm.s32 $_scs_section_size  }
0x9a: {  	s5 =	simm.s32 $_size__tile_overlayer_lowered;
	s6 =	simm.s32 $_tile_overlayer_lowered  }
0x9b: {  	s22 =	simm.s32 $0x1BFF;
	s21 =	sshll.u32 s6, $0x1;
	s3 =	sadd.s32 s4, s19  }
0x9c: {  	s7 =	simm.s32 $0x0;
	s20 =	sshll.u32 s5, $0x1;
	s5 =	sadd.s32 s21, s3  }
0x9d: {  	[timem:s7], [sflag:s22] =	dma.local [hbm:s5], s20  }
0x9e: {  	_ =	swait.ge [sflag:s22], s20  }
0x9f: {  	s4 =	ssub.s32 $0x0, s20;
	[sflag:s22] =	ssyncset.done $0x0  }
0xa0: {  	[sflag:s22] =	ssyncadd.s32 s4;
	_ =	sdelay $0x1  }
0xa1: {  	s23 =	simm.s32 $0x1B8B  }
0xa2: {  	_ =	swait.ge [sflag:s23], $0x1  }
0xa3: {  	[sflag:s23] =	ssyncset.done $0x0  }
0xa4: {  	s25 =	simm.s32 $0x1B8E;
	s24 =	sld [smem:$0x3FFE];
	[sflag:s23] =	ssyncadd.s32 $0xFFFFFFFF  }
0xa5: {  	s26 =	simm.s32 $execute0_lowered;
	[smem:$0x3FD2] =	sst s25  }
0xa6: {  	s5 =	sshll.u32 s26, $0x1;
	_ =	strace $0x80000046;
	[dreg:$0x1] =	wrdreg $0xFFFFFFFF  }
0xa7: {  	s28 =	simm.s32 $_size_execute0_lowered;
	s3 =	sadd.s32 s3, s5;
	[dreg:$0x0] =	wrdreg $0x0  }
0xa8: {  	s5 =	sshll.u32 s28, $0x1;
	[dreg:$0x2] =	wrdreg s3  }
0xa9: {  	[dreg:$0x3] =	wrdreg s5  }
0xaa: {  	[dreg:$0x4] =	wrdreg $0xC0  }
0xab: {  	_ =	task [dreg:s7], $0x5FFFF  }
0xac: {  	[dreg:$0x1] =	wrdreg $0xFFFFFFFF  }
0xad: {  	[dreg:$0x0] =	wrdreg $0x60  }
0xae: {  	[dreg:$0x2] =	wrdreg s2  }
0xaf: {  	[dreg:$0x3] =	wrdreg s24  }
0xb0: {  	[dreg:$0x4] =	wrdreg $0x9  }
0xb1: {  	_ =	task.clear_ibuf [dreg:s7], $0x5FFFF;
	_ =	strace $0x90000046  }
0xb2: {  	s29 =	simm.s32 $0x9;
	_ =	strace $0x80000048  }
0xb3: {  	_ =	swait.ge [sflag:s29], $0x1  }
0xb4: {  	[sflag:s29] =	ssyncadd.s32 $0xFFFFFFFF  }
0xb5: {  	_ =	strace $0x90000048  }
0xb6: {  	_ =	sfence  }
0xb7: {  	s30 =	sld [smem:$0x0];
	_ =	sdelay $0x2  }
0xb8: {  	s31 =	sshll.u32 s1, $0xD;
	s1 =	sshrl.u32 s1, $0x2  }
0xb9: {  	s3 =	sand.u32 $0x4000, s31;
	s1 =	sadd.s32 s1, s30  }
0xba: {  	s0 =	sor.u32 s3, s0;
	s1 =	sshll.u32 s1, $0x11  }
0xbb: {  	s0 =	sor.u32 s1, s0  }
0xbc: {  	s0 =	sadd.s32 $0x8F2B, s0  }
0xbd: {  	[sflag:s0] =	ssyncadd.remote.s32 $0x1  }
0xbe: {  	_ =	sfence.sel $0xFFFF  }
0xbf: {  	[dreg:$0x0] =	wrdreg $0xFFFFFFFF;
	(pc) =	sbr.abs _section_cstart, $3  }
0xc0: {  	[dreg:$0x1] =	wrdreg $0xFFFFFFFF  }
0xc1: {  	_ =	task.clear_ibuf [dreg:s7], $0x2FFFF;
	_ =	strace $0x9FFFFFFF  }
0xc2: {  	(tm) =	ssettm $0x7FFFFFFF  }
0xc3: {  	_ =	shalt  }
tec
execute0_lowered:
.L_overlay_start_1:
0x0: {  	(tag) =	ssettag $0x1  }
0x1: {  	s2 =	rddreg [dreg:$0x0]  }
0x2: {  	s0 =	rddreg [dreg:$0x1]  }
0x3: {  	s1 =	srdreg.scid;
	s9 =	stileid.u32  }
0x4: {  	s3 =	simm.s32 $0x0;
	s1 =	sand.u32 $0x1, s1;
	s22 =	smul.u32 $0x6400, s9  }
0x5: {  	s29 =	simm.s32 $0x9;
	s4 =	sshll.u32 s9, $0x1;
	s19 =	smul.u32 $0x320, s1  }
0x6: {  	s5 =	sor.u32 s1, s4;
	s6 =	ssub.s32 $0x2, s1;
	s1 =	smul.u32 $0x3200, s1  }
0x7: {  	s31 =	simm.s32 $0xA;
	[smem:$0x7FF] =	sst s3;
	s7 =	smul.u32 $0x3200, s5  }
0x8: {  	_ =	strace $0x80000047;
	s8 =	sshrl.u32 s6, $0x1;
	s1 =	sadd.s32 s1, s22  }
0x9: {  	s6 =	ssub.s32 s6, s8;
	s10 =	sadd.s32 s2, s7;
	[dreg:$0x3] =	wrdreg s1  }
0xa: {  	s30 =	simm.s32 $0x180;
	s24 =	smax.u32 s6, $0x1;
	[dreg:$0x4] =	wrdreg s10  }
0xb: {  	s28 =	simm.s32 $0x100;
	s11 =	sadd.s32 $0x10, s10;
	[dreg:$0x14] =	wrdreg s24  }
0xc: {  	s17 =	smul.u32 $0x640, s9;
	s12 =	sadd.s32 $0x20, s10;
	[dreg:$0x5] =	wrdreg s11  }
0xd: {  	s4 =	sadd.s32 $0x800, s0;
	s13 =	sadd.s32 $0x30, s10;
	[dreg:$0x6] =	wrdreg s12  }
0xe: {  	s26 =	smul.u32 $0x190000, s5;
	s14 =	sadd.s32 $0x40, s10;
	[dreg:$0x7] =	wrdreg s13  }
0xf: {  	s5 =	smul.u32 $0xC80000, s5;
	s16 =	sadd.s32 $0x50, s10;
	[dreg:$0x9] =	wrdreg s14  }
0x10: {  	s0 =	sadd.s32 $0x27A00, s0;
	[dreg:$0xb] =	wrdreg s16;
	s12 =	sadd.s32 $0x60, s10  }
0x11: {  	s5 =	sshrl.u32 s5, $0x3;
	s11 =	sadd.s32 s0, s26;
	[dreg:$0xd] =	wrdreg s12  }
0x12: {  	s5 =	sadd.s32 s0, s5;
	s10 =	sadd.s32 $0x70, s10;
	[dreg:$0x8] =	wrdreg s11  }
0x13: {  	s8 =	simm.s32 $0x2;
	s20 =	sadd.s32 $0x18E000, s5;
	[dreg:$0xf] =	wrdreg s10  }
0x14: {  	s7 =	sadd.s32 s19, s17;
	s21 =	sadd.s32 $0x18E800, s5;
	[dreg:$0x10] =	wrdreg s20  }
0x15: {  	s1 =	simm.s32 $0x1;
	s23 =	sadd.s32 $0x18F000, s5;
	[dreg:$0x11] =	wrdreg s21  }
0x16: {  	s6 =	simm.s32 $0xB;
	s5 =	sadd.s32 $0x18F800, s5;
	[dreg:$0x12] =	wrdreg s23  }
0x17: {  	s17 =	simm.s32 $0x8;
	s15 =	sadd.s32 $0x800, s11;
	[dreg:$0x13] =	wrdreg s5  }
0x18: {  	s7 =	sshll.u32 s7, $0xB;
	s18 =	sadd.s32 $0x1000, s11;
	[dreg:$0xa] =	wrdreg s15  }
0x19: {  	s0 =	sadd.s32 s7, s0;
	s11 =	sadd.s32 $0x1800, s11;
	[dreg:$0xc] =	wrdreg s18  }
0x1a: {  	s13 =	simm.s32 $0x5;
	s25 =	sadd.s32 $0x3800, s0;
	[dreg:$0xe] =	wrdreg s11  }
0x1b: {  	s14 =	simm.s32 $0x4;
	s26 =	sadd.s32 $0x3000, s0;
	[dreg:$0x15] =	wrdreg s25  }
0x1c: {  	s16 =	simm.s32 $0x7;
	s0 =	sadd.s32 $0x2000, s0;
	[dreg:$0x16] =	wrdreg s26  }
0x1d: {  	s10 =	simm.s32 $0xC;
	s12 =	simm.s32 $0x3;
	[dreg:$0x17] =	wrdreg s0  }
0x1e: {  	s25 =	simm.s32 $0x80;
	s15 =	simm.s32 $0x6;
	s0 =	simm.s32 $0x0  }
.LBB2_1:
0x1f: {  	[dreg:$0x18] =	wrdreg s0  }
0x20: {  	s5 =	rddreg [dreg:$0x4]  }
0x21: {  	[tilespmem:s3], [sflag:$0x9] =	stream.linear.gather [hbm4b:s5+s3], $0x80, $0x38;
	[tilespmem:$0x10200] =	vst v63  }
0x22: {  	s21 =	rddreg [dreg:$0x5]  }
0x23: {  	[tilespmem:s25], [sflag:$0xA] =	stream.linear.gather [hbm4b:s21+s3], $0x80, $0x38;
	[tilespmem:$0x10200] =	vst v63  }
0x24: {  	s22 =	rddreg [dreg:$0x6];
	s21 =	simm.s32 $0x100  }
0x25: {  	[tilespmem:s21], [sflag:$0xB] =	stream.linear.gather [hbm4b:s22+s3], $0x80, $0x38;
	[tilespmem:$0x10200] =	vst v63  }
0x26: {  	s23 =	rddreg [dreg:$0x7];
	s9 =	simm.s32 $0x180  }
0x27: {  	[tilespmem:s9], [sflag:$0xC] =	stream.linear.gather [hbm4b:s23+s3], $0x80, $0x38;
	[tilespmem:$0x10200] =	vst v63  }
0x28: {  	_ =	swait.ge [sflag:s29], $0x80  }
0x29: {  	[sflag:s29] =	ssyncset.done $0x0  }
0x2a: {  	s23 =	simm.s32 $0x200;
	[sflag:s29] =	ssyncadd.s32 $0xFFFFFF80  }
0x2b: {  	[tilespmem:s23], [sflag:$0x1] =	stream.indirect.gather [hbm4b:s4+s25], $0x80, s3, s25, $0xb8;
	[tilespmem:$0x10200] =	vst v63  }
0x2c: {  	_ =	swait.ge [sflag:s31], $0x80  }
0x2d: {  	[sflag:s31] =	ssyncset.done $0x0  }
0x2e: {  	s0 =	simm.s32 $0x4200;
	[sflag:s31] =	ssyncadd.s32 $0xFFFFFF80  }
0x2f: {  	[tilespmem:s0], [sflag:$0x2] =	stream.indirect.gather [hbm4b:s4+s25], $0x80, s25, s25, $0xb8;
	[tilespmem:$0x10200] =	vst v63  }
0x30: {  	_ =	swait.ge [sflag:s1], $0x4000  }
0x31: {  	[sflag:s1] =	ssyncset.done $0x0  }
0x32: {  	s24 =	rddreg [dreg:$0x8];
	[sflag:s1] =	ssyncadd.s32 $0xFFFFC000  }
0x33: {  	[hbm4b:s24+s3] =	stream.linear.scatter [tilespmem:s23], [sflag:$0x5], $0x4000, $0x38;
	[tilespmem:$0x10200] =	vst v63  }
0x34: {  	_ =	swait.ge [sflag:s6], $0x80  }
0x35: {  	[sflag:s6] =	ssyncset.done $0x0  }
0x36: {  	s7 =	simm.s32 $0x8200;
	[sflag:s6] =	ssyncadd.s32 $0xFFFFFF80  }
0x37: {  	[tilespmem:s7], [sflag:$0x3] =	stream.indirect.gather [hbm4b:s4+s25], $0x80, s21, s25, $0xb8;
	[tilespmem:$0x10200] =	vst v63  }
0x38: {  	s26 =	rddreg [dreg:$0x9]  }
0x39: {  	[tilespmem:s3], [sflag:$0x9] =	stream.linear.gather [hbm4b:s26+s3], $0x80, $0x38;
	[tilespmem:$0x10200] =	vst v63  }
0x3a: {  	_ =	swait.ge [sflag:s8], $0x4000  }
0x3b: {  	[sflag:s8] =	ssyncset.done $0x0  }
0x3c: {  	s11 =	rddreg [dreg:$0xa];
	[sflag:s8] =	ssyncadd.s32 $0xFFFFC000  }
0x3d: {  	[hbm4b:s11+s3] =	stream.linear.scatter [tilespmem:s0], [sflag:$0x6], $0x4000, $0x38;
	[tilespmem:$0x10200] =	vst v63  }
0x3e: {  	_ =	swait.ge [sflag:s10], $0x80  }
0x3f: {  	[sflag:s10] =	ssyncset.done $0x0  }
0x40: {  	s11 =	simm.s32 $0xC200;
	[sflag:s10] =	ssyncadd.s32 $0xFFFFFF80  }
0x41: {  	[tilespmem:s11], [sflag:$0x4] =	stream.indirect.gather [hbm4b:s4+s25], $0x80, s9, s25, $0xb8;
	[tilespmem:$0x10200] =	vst v63  }
0x42: {  	s18 =	rddreg [dreg:$0xb]  }
0x43: {  	[tilespmem:s25], [sflag:$0xA] =	stream.linear.gather [hbm4b:s18+s3], $0x80, $0x38;
	[tilespmem:$0x10200] =	vst v63  }
0x44: {  	_ =	swait.ge [sflag:s12], $0x4000  }
0x45: {  	[sflag:s12] =	ssyncset.done $0x0  }
0x46: {  	s19 =	rddreg [dreg:$0xc];
	[sflag:s12] =	ssyncadd.s32 $0xFFFFC000  }
0x47: {  	[hbm4b:s19+s3] =	stream.linear.scatter [tilespmem:s7], [sflag:$0x7], $0x4000, $0x38;
	[tilespmem:$0x10200] =	vst v63  }
0x48: {  	_ =	swait.ge [sflag:s13], $0x4000  }
0x49: {  	[sflag:s13] =	ssyncset.done $0x0  }
0x4a: {  	[sflag:s13] =	ssyncadd.s32 $0xFFFFC000  }
0x4b: {  	_ =	swait.ge [sflag:s29], $0x80  }
0x4c: {  	[sflag:s29] =	ssyncset.done $0x0  }
0x4d: {  	[sflag:s29] =	ssyncadd.s32 $0xFFFFFF80  }
0x4e: {  	[tilespmem:s23], [sflag:$0x1] =	stream.indirect.gather [hbm4b:s4+s25], $0x80, s3, s25, $0xb8;
	[tilespmem:$0x10200] =	vst v63  }
0x4f: {  	s20 =	rddreg [dreg:$0xd]  }
0x50: {  	[tilespmem:s21], [sflag:$0xB] =	stream.linear.gather [hbm4b:s20+s3], $0x80, $0x38;
	[tilespmem:$0x10200] =	vst v63  }
0x51: {  	_ =	swait.ge [sflag:s14], $0x4000  }
0x52: {  	[sflag:s14] =	ssyncset.done $0x0  }
0x53: {  	s22 =	rddreg [dreg:$0xe];
	[sflag:s14] =	ssyncadd.s32 $0xFFFFC000  }
0x54: {  	[hbm4b:s22+s3] =	stream.linear.scatter [tilespmem:s11], [sflag:$0x8], $0x4000, $0x38;
	[tilespmem:$0x10200] =	vst v63  }
0x55: {  	_ =	swait.ge [sflag:s15], $0x4000  }
0x56: {  	[sflag:s15] =	ssyncset.done $0x0  }
0x57: {  	[sflag:s15] =	ssyncadd.s32 $0xFFFFC000  }
0x58: {  	_ =	swait.ge [sflag:s31], $0x80  }
0x59: {  	[sflag:s31] =	ssyncset.done $0x0  }
0x5a: {  	[sflag:s31] =	ssyncadd.s32 $0xFFFFFF80  }
0x5b: {  	[tilespmem:s0], [sflag:$0x2] =	stream.indirect.gather [hbm4b:s4+s25], $0x80, s25, s25, $0xb8;
	[tilespmem:$0x10200] =	vst v63  }
0x5c: {  	s24 =	rddreg [dreg:$0xf]  }
0x5d: {  	[tilespmem:s9], [sflag:$0xC] =	stream.linear.gather [hbm4b:s24+s3], $0x80, $0x38;
	[tilespmem:$0x10200] =	vst v63  }
0x5e: {  	_ =	swait.ge [sflag:s1], $0x4000  }
0x5f: {  	[sflag:s1] =	ssyncset.done $0x0  }
0x60: {  	s18 =	rddreg [dreg:$0x17];
	[sflag:s1] =	ssyncadd.s32 $0xFFFFC000  }
0x61: {  	[hbm4b:s18+s3] =	stream.linear.scatter [tilespmem:s23], [sflag:$0x5], $0x4000, $0x38;
	[tilespmem:$0x10200] =	vst v63  }
0x62: {  	_ =	swait.ge [sflag:s16], $0x4000  }
0x63: {  	[sflag:s16] =	ssyncset.done $0x0  }
0x64: {  	[sflag:s16] =	ssyncadd.s32 $0xFFFFC000  }
0x65: {  	_ =	swait.ge [sflag:s6], $0x80  }
0x66: {  	[sflag:s6] =	ssyncset.done $0x0;
	s26 =	rddreg [dreg:$0x3]  }
0x67: {  	s19 =	simm.s32 $0x80;
	[sflag:s6] =	ssyncadd.s32 $0xFFFFFF80;
	s5 =	sadd.s32 $0xB0, s26  }
0x68: {  	[tilespmem:s7], [sflag:$0x3] =	stream.indirect.gather [hbm4b:s4+s25], $0x80, s21, s25, $0xb8;
	[tilespmem:$0x10200] =	vst v63  }
0x69: {  	s19 =	sand.u32 $0x40, s19;
	s20 =	sadd.s32 $0xFFFFFFD0, s5  }
0x6a: {  	s19 =	sadd.s32 s2, s19;
	s20 =	sand.u32 $0xFFFFF80, s20  }
0x6b: {  	s19 =	sadd.s32 s20, s19  }
0x6c: {  	[tilespmem:s3], [sflag:$0x9] =	stream.linear.gather [hbm4b:s19+s3], $0x80, $0x38;
	[tilespmem:$0x10200] =	vst v63  }
0x6d: {  	_ =	swait.ge [sflag:s8], $0x4000  }
0x6e: {  	[sflag:s8] =	ssyncset.done $0x0;
	s22 =	rddreg [dreg:$0x15]  }
0x6f: {  	s20 =	sadd.s32 $0xFFFFF000, s22;
	[sflag:s8] =	ssyncadd.s32 $0xFFFFC000  }
0x70: {  	[hbm4b:s20+s3] =	stream.linear.scatter [tilespmem:s0], [sflag:$0x6], $0x4000, $0x38;
	[tilespmem:$0x10200] =	vst v63  }
0x71: {  	_ =	swait.ge [sflag:s17], $0x4000  }
0x72: {  	[sflag:s17] =	ssyncset.done $0x0  }
0x73: {  	[sflag:s17] =	ssyncadd.s32 $0xFFFFC000  }
0x74: {  	s24 =	simm.s32 $0x90;
	_ =	swait.ge [sflag:s10], $0x80  }
0x75: {  	s26 =	sadd.s32 $0xFFFFFFE0, s5;
	s19 =	sand.u32 $0x50, s24;
	[sflag:s10] =	ssyncset.done $0x0  }
0x76: {  	s19 =	sadd.s32 s2, s19;
	s20 =	sand.u32 $0xFFFFF80, s26;
	[sflag:s10] =	ssyncadd.s32 $0xFFFFFF80  }
0x77: {  	[tilespmem:s11], [sflag:$0x4] =	stream.indirect.gather [hbm4b:s4+s25], $0x80, s9, s25, $0xb8;
	[tilespmem:$0x10200] =	vst v63  }
0x78: {  	s19 =	sadd.s32 s20, s19  }
0x79: {  	[tilespmem:s25], [sflag:$0xA] =	stream.linear.gather [hbm4b:s19+s3], $0x80, $0x38;
	[tilespmem:$0x10200] =	vst v63  }
0x7a: {  	_ =	swait.ge [sflag:s12], $0x4000  }
0x7b: {  	[sflag:s12] =	ssyncset.done $0x0  }
0x7c: {  	s9 =	rddreg [dreg:$0x16];
	[sflag:s12] =	ssyncadd.s32 $0xFFFFC000  }
0x7d: {  	[hbm4b:s9+s3] =	stream.linear.scatter [tilespmem:s7], [sflag:$0x7], $0x4000, $0x38;
	[tilespmem:$0x10200] =	vst v63  }
0x7e: {  	_ =	swait.ge [sflag:s13], $0x4000  }
0x7f: {  	[sflag:s13] =	ssyncset.done $0x0  }
0x80: {  	[sflag:s13] =	ssyncadd.s32 $0xFFFFC000  }
0x81: {  	s0 =	simm.s32 $0xA0;
	_ =	swait.ge [sflag:s29], $0x80  }
0x82: {  	s19 =	sand.u32 $0x60, s0;
	s7 =	sadd.s32 $0xFFFFFFF0, s5;
	[sflag:s29] =	ssyncset.done $0x0  }
0x83: {  	s19 =	sadd.s32 s2, s19;
	s20 =	sand.u32 $0xFFFFF80, s7;
	[sflag:s29] =	ssyncadd.s32 $0xFFFFFF80  }
0x84: {  	[tilespmem:s23], [sflag:$0x1] =	stream.indirect.gather [hbm4b:s4+s25], $0x80, s3, s25, $0xb8;
	[tilespmem:$0x10200] =	vst v63  }
0x85: {  	s19 =	sadd.s32 s20, s19  }
0x86: {  	[tilespmem:s21], [sflag:$0xB] =	stream.linear.gather [hbm4b:s19+s3], $0x80, $0x38;
	[tilespmem:$0x10200] =	vst v63  }
0x87: {  	_ =	swait.ge [sflag:s14], $0x4000  }
0x88: {  	[sflag:s14] =	ssyncset.done $0x0  }
0x89: {  	[sflag:s14] =	ssyncadd.s32 $0xFFFFC000  }
0x8a: {  	[hbm4b:s22+s3] =	stream.linear.scatter [tilespmem:s11], [sflag:$0x8], $0x4000, $0x38;
	[tilespmem:$0x10200] =	vst v63  }
0x8b: {  	_ =	swait.ge [sflag:s15], $0x4000  }
0x8c: {  	s24 =	simm.s32 $0xB0;
	[sflag:s15] =	ssyncset.done $0x0  }
0x8d: {  	s26 =	sand.u32 $0x70, s24;
	s20 =	sadd.s32 $0x2000, s18;
	[sflag:s15] =	ssyncadd.s32 $0xFFFFC000  }
0x8e: {  	s23 =	sand.u32 $0xFFFFF80, s5;
	s5 =	sadd.s32 s2, s26;
	_ =	swait.ge [sflag:s31], $0x80  }
0x8f: {  	s19 =	simm.s32 $0xF0;
	s21 =	sadd.s32 $0x2000, s9;
	[sflag:s31] =	ssyncset.done $0x0  }
.LBB2_2:
0x90: {  	[sflag:s31] =	ssyncadd.s32 $0xFFFFFF80;
	s7 =	simm.s32 $0x4200  }
0x91: {  	[tilespmem:s7], [sflag:$0x2] =	stream.indirect.gather [hbm4b:s4+s25], $0x80, s25, s25, $0xb8;
	[tilespmem:$0x10200] =	vst v63  }
0x92: {  	s23 =	sadd.s32 s23, s5  }
0x93: {  	[tilespmem:s30], [sflag:$0xC] =	stream.linear.gather [hbm4b:s23+s3], $0x80, $0x38;
	[tilespmem:$0x10200] =	vst v63  }
0x94: {  	_ =	swait.ge [sflag:s1], $0x4000  }
0x95: {  	[sflag:s1] =	ssyncset.done $0x0  }
0x96: {  	s0 =	simm.s32 $0x200;
	[sflag:s1] =	ssyncadd.s32 $0xFFFFC000  }
0x97: {  	[hbm4b:s20+s3] =	stream.linear.scatter [tilespmem:s0], [sflag:$0x5], $0x4000, $0x38;
	[tilespmem:$0x10200] =	vst v63  }
0x98: {  	_ =	swait.ge [sflag:s16], $0x4000  }
0x99: {  	[sflag:s16] =	ssyncset.done $0x0  }
0x9a: {  	[sflag:s16] =	ssyncadd.s32 $0xFFFFC000  }
0x9b: {  	s5 =	smov.u32 s19;
	_ =	swait.ge [sflag:s6], $0x80  }
0x9c: {  	s11 =	simm.s32 $0x8200;
	[sflag:s6] =	ssyncset.done $0x0;
	s18 =	rddreg [dreg:$0x3]  }
0x9d: {  	s24 =	sadd.s32 $0xFFFFFFD0, s5;
	[sflag:s6] =	ssyncadd.s32 $0xFFFFFF80;
	s23 =	sadd.s32 s5, s18  }
0x9e: {  	[tilespmem:s11], [sflag:$0x3] =	stream.indirect.gather [hbm4b:s4+s25], $0x80, s28, s25, $0xb8;
	[tilespmem:$0x10200] =	vst v63  }
0x9f: {  	s24 =	sand.u32 $0x40, s24;
	s9 =	sadd.s32 $0xFFFFFFD0, s23  }
0xa0: {  	s24 =	sadd.s32 s2, s24;
	s9 =	sand.u32 $0xFFFFF80, s9  }
0xa1: {  	s9 =	sadd.s32 s9, s24  }
0xa2: {  	[tilespmem:s3], [sflag:$0x9] =	stream.linear.gather [hbm4b:s9+s3], $0x80, $0x38;
	[tilespmem:$0x10200] =	vst v63  }
0xa3: {  	_ =	swait.ge [sflag:s8], $0x4000  }
0xa4: {  	s22 =	sadd.s32 $0x2000, s22;
	s26 =	sadd.s32 $0xFFFFFFF0, s23;
	[sflag:s8] =	ssyncset.done $0x0  }
0xa5: {  	s24 =	sand.u32 $0xFFFFF80, s26;
	s26 =	sadd.s32 $0xFFFFF000, s22;
	[sflag:s8] =	ssyncadd.s32 $0xFFFFC000  }
0xa6: {  	[hbm4b:s26+s3] =	stream.linear.scatter [tilespmem:s7], [sflag:$0x6], $0x4000, $0x38;
	[tilespmem:$0x10200] =	vst v63  }
0xa7: {  	_ =	swait.ge [sflag:s17], $0x4000  }
0xa8: {  	[sflag:s17] =	ssyncset.done $0x0  }
0xa9: {  	[sflag:s17] =	ssyncadd.s32 $0xFFFFC000  }
0xaa: {  	s18 =	sadd.s32 $0xFFFFFFE0, s23;
	s7 =	sadd.s32 $0xFFFFFFE0, s5;
	_ =	swait.ge [sflag:s10], $0x80  }
0xab: {  	s18 =	sand.u32 $0xFFFFF80, s18;
	s9 =	sand.u32 $0x50, s7;
	[sflag:s10] =	ssyncset.done $0x0  }
0xac: {  	s7 =	simm.s32 $0xC200;
	s9 =	sadd.s32 s2, s9;
	[sflag:s10] =	ssyncadd.s32 $0xFFFFFF80  }
0xad: {  	[tilespmem:s7], [sflag:$0x4] =	stream.indirect.gather [hbm4b:s4+s25], $0x80, s30, s25, $0xb8;
	[tilespmem:$0x10200] =	vst v63  }
0xae: {  	s9 =	sadd.s32 s18, s9  }
0xaf: {  	[tilespmem:s25], [sflag:$0xA] =	stream.linear.gather [hbm4b:s9+s3], $0x80, $0x38;
	[tilespmem:$0x10200] =	vst v63  }
0xb0: {  	_ =	swait.ge [sflag:s12], $0x4000  }
0xb1: {  	[sflag:s12] =	ssyncset.done $0x0  }
0xb2: {  	[sflag:s12] =	ssyncadd.s32 $0xFFFFC000  }
0xb3: {  	[hbm4b:s21+s3] =	stream.linear.scatter [tilespmem:s11], [sflag:$0x7], $0x4000, $0x38;
	[tilespmem:$0x10200] =	vst v63  }
0xb4: {  	_ =	swait.ge [sflag:s13], $0x4000  }
0xb5: {  	[sflag:s13] =	ssyncset.done $0x0  }
0xb6: {  	[sflag:s13] =	ssyncadd.s32 $0xFFFFC000  }
0xb7: {  	s26 =	sadd.s32 $0xFFFFFFF0, s5;
	_ =	swait.ge [sflag:s29], $0x80  }
0xb8: {  	s9 =	sand.u32 $0x60, s26;
	[sflag:s29] =	ssyncset.done $0x0  }
0xb9: {  	s9 =	sadd.s32 s2, s9;
	[sflag:s29] =	ssyncadd.s32 $0xFFFFFF80  }
0xba: {  	[tilespmem:s0], [sflag:$0x1] =	stream.indirect.gather [hbm4b:s4+s25], $0x80, s3, s25, $0xb8;
	[tilespmem:$0x10200] =	vst v63  }
0xbb: {  	s9 =	sadd.s32 s24, s9  }
0xbc: {  	[tilespmem:s28], [sflag:$0xB] =	stream.linear.gather [hbm4b:s9+s3], $0x80, $0x38;
	[tilespmem:$0x10200] =	vst v63  }
0xbd: {  	_ =	swait.ge [sflag:s14], $0x4000  }
0xbe: {  	[sflag:s14] =	ssyncset.done $0x0  }
0xbf: {  	p0 =	sne.s32 s19, $0x31F0;
	[sflag:s14] =	ssyncadd.s32 $0xFFFFC000  }
0xc0: {  	[hbm4b:s22+s3] =	stream.linear.scatter [tilespmem:s7], [sflag:$0x8], $0x4000, $0x38;
	[tilespmem:$0x10200] =	vst v63  }
.Ltmp0:
0xc1: {  	_ =	swait.ge [sflag:s15], $0x4000;
	(pc) =	sbr.rel @p0 .LBB2_2-.Ltmp0, $4  }
0xc2: {  	s19 =	sadd.s32 $0x40, s19;
	s20 =	sadd.s32 $0x2000, s20;
	[sflag:s15] =	ssyncset.done $0x0  }
0xc3: {  	s23 =	sand.u32 $0xFFFFF80, s23;
	s5 =	sand.u32 $0x70, s5;
	[sflag:s15] =	ssyncadd.s32 $0xFFFFC000  }
0xc4: {  	s5 =	sadd.s32 s2, s5;
	s18 =	simm.s32 $0x100;
	_ =	swait.ge [sflag:s31], $0x80  }
0xc5: {  	s24 =	simm.s32 $0x200;
	s21 =	sadd.s32 $0x2000, s21;
	[sflag:s31] =	ssyncset.done $0x0  }
0xc6: {  	[sflag:s31] =	ssyncadd.s32 $0xFFFFFF80;
	s0 =	simm.s32 $0x4200  }
0xc7: {  	[tilespmem:s0], [sflag:$0x2] =	stream.indirect.gather [hbm4b:s4+s25], $0x80, s25, s25, $0xb8;
	[tilespmem:$0x10200] =	vst v63  }
0xc8: {  	s5 =	sadd.s32 s23, s5;
	s9 =	simm.s32 $0x180  }
0xc9: {  	[tilespmem:s9], [sflag:$0xC] =	stream.linear.gather [hbm4b:s5+s3], $0x80, $0x38;
	[tilespmem:$0x10200] =	vst v63  }
0xca: {  	_ =	swait.ge [sflag:s1], $0x4000  }
0xcb: {  	[sflag:s1] =	ssyncset.done $0x0  }
0xcc: {  	s19 =	rddreg [dreg:$0x10];
	[sflag:s1] =	ssyncadd.s32 $0xFFFFC000  }
0xcd: {  	[hbm4b:s19+s3] =	stream.linear.scatter [tilespmem:s24], [sflag:$0x5], $0x4000, $0x38;
	[tilespmem:$0x10200] =	vst v63  }
0xce: {  	_ =	swait.ge [sflag:s16], $0x4000  }
0xcf: {  	[sflag:s16] =	ssyncset.done $0x0  }
0xd0: {  	[sflag:s16] =	ssyncadd.s32 $0xFFFFC000  }
0xd1: {  	_ =	swait.ge [sflag:s6], $0x80  }
0xd2: {  	[sflag:s6] =	ssyncset.done $0x0  }
0xd3: {  	s7 =	simm.s32 $0x8200;
	[sflag:s6] =	ssyncadd.s32 $0xFFFFFF80  }
0xd4: {  	[tilespmem:s7], [sflag:$0x3] =	stream.indirect.gather [hbm4b:s4+s25], $0x80, s18, s25, $0xb8;
	[tilespmem:$0x10200] =	vst v63  }
0xd5: {  	_ =	swait.ge [sflag:s8], $0x4000  }
0xd6: {  	[sflag:s8] =	ssyncset.done $0x0  }
0xd7: {  	s20 =	rddreg [dreg:$0x11];
	[sflag:s8] =	ssyncadd.s32 $0xFFFFC000  }
0xd8: {  	[hbm4b:s20+s3] =	stream.linear.scatter [tilespmem:s0], [sflag:$0x6], $0x4000, $0x38;
	[tilespmem:$0x10200] =	vst v63  }
0xd9: {  	_ =	swait.ge [sflag:s17], $0x4000  }
0xda: {  	[sflag:s17] =	ssyncset.done $0x0  }
0xdb: {  	[sflag:s17] =	ssyncadd.s32 $0xFFFFC000  }
0xdc: {  	_ =	swait.ge [sflag:s10], $0x80  }
0xdd: {  	[sflag:s10] =	ssyncset.done $0x0  }
0xde: {  	s21 =	simm.s32 $0xC200;
	[sflag:s10] =	ssyncadd.s32 $0xFFFFFF80  }
0xdf: {  	[tilespmem:s21], [sflag:$0x4] =	stream.indirect.gather [hbm4b:s4+s25], $0x80, s9, s25, $0xb8;
	[tilespmem:$0x10200] =	vst v63  }
0xe0: {  	_ =	swait.ge [sflag:s12], $0x4000  }
0xe1: {  	[sflag:s12] =	ssyncset.done $0x0  }
0xe2: {  	s22 =	rddreg [dreg:$0x12];
	[sflag:s12] =	ssyncadd.s32 $0xFFFFC000  }
0xe3: {  	[hbm4b:s22+s3] =	stream.linear.scatter [tilespmem:s7], [sflag:$0x7], $0x4000, $0x38;
	[tilespmem:$0x10200] =	vst v63  }
0xe4: {  	_ =	swait.ge [sflag:s13], $0x4000  }
0xe5: {  	[sflag:s13] =	ssyncset.done $0x0  }
0xe6: {  	[sflag:s13] =	ssyncadd.s32 $0xFFFFC000  }
0xe7: {  	_ =	swait.ge [sflag:s14], $0x4000  }
0xe8: {  	[sflag:s14] =	ssyncset.done $0x0  }
0xe9: {  	s23 =	rddreg [dreg:$0x13];
	[sflag:s14] =	ssyncadd.s32 $0xFFFFC000  }
0xea: {  	[hbm4b:s23+s3] =	stream.linear.scatter [tilespmem:s21], [sflag:$0x8], $0x4000, $0x38;
	[tilespmem:$0x10200] =	vst v63  }
0xeb: {  	_ =	swait.ge [sflag:s15], $0x4000  }
0xec: {  	[sflag:s15] =	ssyncset.done $0x0  }
0xed: {  	[sflag:s15] =	ssyncadd.s32 $0xFFFFC000  }
0xee: {  	_ =	swait.ge [sflag:s16], $0x4000  }
0xef: {  	[sflag:s16] =	ssyncset.done $0x0  }
0xf0: {  	[sflag:s16] =	ssyncadd.s32 $0xFFFFC000  }
0xf1: {  	_ =	swait.ge [sflag:s17], $0x4000  }
0xf2: {  	s24 =	rddreg [dreg:$0x18]  }
0xf3: {  	s26 =	rddreg [dreg:$0x14];
	s0 =	sadd.s32 $0x1, s24  }
0xf4: {  	p0 =	sne.s32 s0, s26  }
.Ltmp1:
0xf5: {  	_ = 	snop;
	(pc) =	sbr.rel @p0 .LBB2_1-.Ltmp1, $3  }
0xf6: {  	_ =	sdelay $0x1  }
0xf7: {  	[sflag:s17] =	ssyncset.done $0x0  }
0xf8: {  	[sflag:s17] =	ssyncadd.s32 $0xFFFFC000  }
0xf9: {  	_ =	sfence.sel $0x180000  }
0xfa: {  	[bflag:$0x0] =	sbarrier.arrive $0xFFFF  }
0xfb: {  	_ =	strace $0x90000047  }
0xfc: {  	s0 =	stileid.u32;
	[bflag:$0x2] =	sbarrier.arrive $0xFFFF  }
0xfd: {  	p0 =	sne.s32 s0, $0x0;
	s0 =	rddreg [dreg:$0x2]  }
0xfe: {  	s0 =	sadd.s32 @!p0 $0x100000, s0  }
0xff: {  	[sflag:s0] =	ssyncadd.tile.s32 @!p0 $0x1;
	_ =	shalt  }
.Lfunc_end2:
_tile_overlayer_lowered:
.L_overlay_start_2:
0x100: {  	(tag) =	ssettag $0x2  }
0x101: {  	s0 =	rddreg [dreg:$0x0];
	s2 =	stileid.u32  }
0x102: {  	s1 =	rddreg [dreg:$0x1];
	p0 =	sne.s32 s2, $0x0  }
0x103: {  	s3 =	rddreg [dreg:$0x2];
	[bflag:$0x3] =	sbarrier.arrive $0xFFFF;
	s2 =	simm.s32 @!p0 $0x1C0D  }
0x104: {  	[timem:s3], [sflag:s2] =	dma.local @!p0 [hbm:s0], s1  }
0x105: {  	s0 =	simm.s32 @!p0 $0xD  }
0x106: {  	_ =	swait.ge @!p0 [sflag:s0], s1  }
0x107: {  	s1 =	ssub.s32 @!p0 $0x0, s1;
	[sflag:s0] =	ssyncset.done @!p0 $0x0  }
0x108: {  	[sflag:s0] =	ssyncadd.s32 @!p0 s1  }
0x109: {  	[bflag:$0x3] =	sbarrier.arrive $0xFFFF  }
0x10a: {  	_ =	shalt  }

// kernel: sparse-core-data-format-call.cloned.1.call-start
scs
called_computation_lowered:
.L_overlay_start_0:
0x0: {  	s2 =	sld [smem:$0x3FD9]  }
0x1: {  	s3 =	sld [smem:$0x3FFE];
	_ =	sdelay $0x1  }
0x2: {  	s1 =	srdreg.scid  }
0x3: {  	s0 =	sand.u32 $0x1, s1  }
0x4: {  	s18 =	sshll.u32 s0, $0xA;
	s2 =	sadd.s32 s3, s2  }
0x5: {  	s2 =	sadd.s32 s2, s18  }
0x6: {  	[smem:$0x3FC6] =	sst s2  }
0x7: {  	_ = 	snop  }
0x8: {  	s2 =	sld [smem:$0x3FD0];
	(tm) =	ssettm $0x1  }
0x9: {  	s19 =	sld [smem:$0x3FFB];
	_ =	sdelay $0x3  }
0xa: {  	_ =	strace s19  }
0xb: {  	s3 =	sld [smem:$0x3FFC];
	_ =	sdelay $0x3  }
0xc: {  	_ =	strace s3  }
0xd: {  	s3 =	sld [smem:$0x3FFD];
	_ =	sdelay $0x3  }
0xe: {  	_ =	strace s3  }
0xf: {  	_ =	strace $0x8FFFFFFF  }
0x10: {  	s20 =	sld [smem:$0x3FDB];
	_ =	sdelay $0x1  }
0x11: {  	s4 =	simm.s32 $_scs_section_size  }
0x12: {  	s5 =	simm.s32 $_size__tile_overlayer_lowered;
	s6 =	simm.s32 $_tile_overlayer_lowered  }
0x13: {  	s23 =	simm.s32 $0x1BFF;
	s22 =	sshll.u32 s6, $0x1;
	s3 =	sadd.s32 s4, s20  }
0x14: {  	s7 =	simm.s32 $0x0;
	s21 =	sshll.u32 s5, $0x1;
	s5 =	sadd.s32 s22, s3  }
0x15: {  	[timem:s7], [sflag:s23] =	dma.local [hbm:s5], s21  }
0x16: {  	_ =	swait.ge [sflag:s23], s21  }
0x17: {  	s4 =	ssub.s32 $0x0, s21;
	[sflag:s23] =	ssyncset.done $0x0  }
0x18: {  	[sflag:s23] =	ssyncadd.s32 s4;
	_ =	sdelay $0x1  }
0x19: {  	s24 =	simm.s32 $0x1B8B  }
0x1a: {  	_ =	swait.ge [sflag:s24], $0x1  }
0x1b: {  	[sflag:s24] =	ssyncset.done $0x0  }
0x1c: {  	s26 =	simm.s32 $0x1B8E;
	s25 =	sld [smem:$0x3FFE];
	[sflag:s24] =	ssyncadd.s32 $0xFFFFFFFF  }
0x1d: {  	s27 =	simm.s32 $execute0_lowered;
	[smem:$0x3FD2] =	sst s26  }
0x1e: {  	s5 =	sshll.u32 s27, $0x1;
	_ =	strace $0x80000049;
	[dreg:$0x1] =	wrdreg $0xFFFFFFFF  }
0x1f: {  	s28 =	simm.s32 $_size_execute0_lowered;
	s3 =	sadd.s32 s3, s5;
	[dreg:$0x0] =	wrdreg $0x0  }
0x20: {  	s5 =	sshll.u32 s28, $0x1;
	[dreg:$0x2] =	wrdreg s3  }
0x21: {  	[dreg:$0x3] =	wrdreg s5  }
0x22: {  	[dreg:$0x4] =	wrdreg $0xC0  }
0x23: {  	_ =	task [dreg:s7], $0x5FFFF  }
0x24: {  	[dreg:$0x1] =	wrdreg $0xFFFFFFFF  }
0x25: {  	[dreg:$0x0] =	wrdreg $0x60  }
0x26: {  	[dreg:$0x2] =	wrdreg s25  }
0x27: {  	[dreg:$0x3] =	wrdreg s2  }
0x28: {  	[dreg:$0x4] =	wrdreg $0x9  }
0x29: {  	_ =	task.clear_ibuf [dreg:s7], $0x5FFFF;
	_ =	strace $0x90000049  }
0x2a: {  	s29 =	simm.s32 $0x9;
	_ =	strace $0x8000004B  }
0x2b: {  	_ =	swait.ge [sflag:s29], $0x1  }
0x2c: {  	[sflag:s29] =	ssyncadd.s32 $0xFFFFFFFF  }
0x2d: {  	_ =	strace $0x9000004B  }
0x2e: {  	_ =	sfence  }
0x2f: {  	s30 =	sld [smem:$0x0];
	_ =	sdelay $0x2  }
0x30: {  	s31 =	sshll.u32 s1, $0xD;
	s1 =	sshrl.u32 s1, $0x2  }
0x31: {  	s3 =	sand.u32 $0x4000, s31;
	s1 =	sadd.s32 s1, s30  }
0x32: {  	s0 =	sor.u32 s3, s0;
	s1 =	sshll.u32 s1, $0x11  }
0x33: {  	s0 =	sor.u32 s1, s0  }
0x34: {  	s0 =	sadd.s32 $0x8F2B, s0  }
0x35: {  	[sflag:s0] =	ssyncadd.remote.s32 $0x1  }
0x36: {  	_ =	sfence.sel $0xFFFF  }
0x37: {  	[dreg:$0x0] =	wrdreg $0xFFFFFFFF;
	(pc) =	sbr.abs _section_cstart, $3  }
0x38: {  	[dreg:$0x1] =	wrdreg $0xFFFFFFFF  }
0x39: {  	_ =	task.clear_ibuf [dreg:s7], $0x2FFFF;
	_ =	strace $0x9FFFFFFF  }
0x3a: {  	(tm) =	ssettm $0x7FFFFFFF  }
0x3b: {  	_ =	shalt  }
tec
execute0_lowered:
.L_overlay_start_1:
0x0: {  	(tag) =	ssettag $0x1  }
0x1: {  	s0 =	srdreg.scid  }
0x2: {  	s1 =	sshll.u32 s0, $0x4  }
0x3: {  	s0 =	stileid.u32;
	s1 =	sand.u32 $0x10, s1  }
0x4: {  	s1 =	sor.u32 s0, s1  }
0x5: {  	s6 =	rddreg [dreg:$0x0];
	s4 =	simm.s32 $0x1;
	s2 =	sshll.u32 s1, $0x7  }
0x6: {  	s7 =	simm.s32 $0x2;
	s12 =	simm.s32 $0x0;
	s1 =	ssub.s32 $0x4000, s2  }
0x7: {  	s8 =	simm.s32 $0x20000;
	s13 =	simm.s32 $0x0;
	s3 =	sand.u32 $0xF80, s1  }
0x8: {  	s9 =	simm.s32 $0x0;
	s5 =	sshrl.u32 s1, $0xC;
	p0 =	sne.s32 s3, $0x0  }
.Ltmp0:
0x9: {  	s1 =	rddreg [dreg:$0x2];
	s4 =	simm.s32 @!p0 $0x0;
	(pc) =	sbr.rel .LBB1_1-.Ltmp0, $4  }
0xa: {  	s11 =	simm.s32 $0x0;
	s3 =	rddreg [dreg:$0x1];
	s5 =	sadd.s32 s4, s5  }
0xb: {  	_ =	strace $0x8000004A;
	s4 =	simm.s32 $0x1;
	s5 =	smul.u32 $0xC8, s5  }
0xc: {  	s6 =	sadd.s32 $0x27A00, s6;
	s10 =	smov.u32 s2;
	[sflag:s4] =	ssyncpa.u1 $0x0  }
0xd: {  	p0 =	por $0x0, $0x0;
	[sflag:s7] =	ssyncpa.u1 $0x0;
	s7 =	sor.u32 $0x1, s5  }
.LBB1_4:
0xe: {  	s16 =	sshll.u32 s13, $0x3;
	s17 =	sand.u32 $0x78, s13  }
0xf: {  	s30 =	sand.u32 $0x1F800, s13;
	s12 =	sshll.u32 s12, $0x11;
	s16 =	sand.u32 $0x3C00, s16  }
0x10: {  	[tilespmem:s15+$0x810 ss:$0x81] =	vst.msk $0xffff, v2;
	s31 =	sand.u32 $0x7, s13;
	s16 =	sor.u32 s17, s16;
	s17 =	sadd.s32 s3, s30  }
0x11: {  	[tilespmem:s15+$0x1020 ss:$0x81] =	vst.msk $0xffff, v0;
	s13 =	sshll.u32 s31, $0x12;
	s12 =	sadd.s32 s12, s17;
	s16 =	sshrl.u32 s16, $0x3  }
0x12: {  	[tilespmem:s15+$0x0 ss:$0x81] =	vst.msk $0xffff, v1;
	s13 =	sor.u32 $0x400, s13;
	s12 =	sadd.s32 s16, s12  }
0x13: {  	[hbm4b:s12+s13] =	stream.strided.scatter [tilespmem:s14], [sflag:$0x2], $0x2000, s8, s13, $0x20;
	[tilespmem:$0x8080] =	vst v63  }
.LBB1_5:
0x14: {  	s14 =	sadd.s32 $0x1, s9  }
0x15: {  	s12 =	sadd.s32 $0x1000, s10;
	s16 =	smov.u32 s10;
	p2 =	sgt.s32 s14, $0xC7  }
0x16: {  	s16 =	smov.u32 @p2 s12  }
0x17: {  	s14 =	simm.s32 @p2 $0x0;
	p2 =	sgt.s32 s16, $0x3FFF  }
0x18: {  	s16 =	smov.u32 @p2 s2;
	p2 =	sne.s32 s11, s7  }
.Ltmp1:
0x19: {  	p1 =	slt.u32 s11, $0x2;
	(pc) =	sbr.rel @!p2 .LBB1_6-.Ltmp1, $4  }
0x1a: {  	s15 =	simm.s32 @!p1 $0x2  }
0x1b: {  	s13 =	smov.u32 s10;
	p0 =	por !p0, !p0;
	_ =	swait.ge @!p1 [sflag:s15], $0x2000  }
0x1c: {  	s12 =	smov.u32 s9;
	[sflag:s15] =	ssyncset.done @!p1 $0x0;
	s9 =	smov.u32 s14  }
0x1d: {  	s11 =	sadd.s32 $0x1, s11;
	[sflag:s15] =	ssyncadd.s32 @!p1 $0xFFFFE000;
	s10 =	smov.u32 s16  }
.LBB1_1:
0x1e: {  	p1 =	sge.u32 s11, s5  }
0x1f: {  	s14 =	sand.u32 @!p1 $0x1FFFFFF, s9  }
0x20: {  	s15 =	smulhi.u32 @!p1 $0x147AE15, s14;
	_ =	sdelay $0x1  }
0x21: {  	s15 =	smul.u32 @!p1 $0xC8, s15  }
0x22: {  	s16 =	sxor.u32 @!p1 $0xFFFFFFFF, s11;
	s17 =	smul.u32 @!p1 $0xC80, s10  }
0x23: {  	s31 =	sadd.s32 $0xFFFFFFFF, s11;
	s16 =	sshll.u32 @!p1 s16, $0xD;
	s14 =	ssub.s32 @!p1 s14, s15  }
0x24: {  	s15 =	sand.u32 @!p1 $0x2000, s16;
	s16 =	sadd.s32 @!p1 s6, s17;
	s14 =	sshll.u32 @!p1 s14, $0x4  }
0x25: {  	s17 =	simm.s32 @!p1 $0x6400;
	s14 =	sadd.s32 @!p1 s14, s16;
	s16 =	simm.s32 @!p1 $0x40  }
0x26: {  	[tilespmem:s15], [sflag:$0x1] =	stream.strided.gather @!p1 [hbm4b:s14+s16], $0x2000, s17, s16, $0x38;
	[tilespmem:$0x8080] =	vst v63  }
0x27: {  	p1 =	sge.u32 s31, s5  }
.Ltmp2:
0x28: {  	_ = 	snop;
	(pc) =	sbr.rel @p1 .LBB1_5-.Ltmp2, $1  }
0x29: {  	_ =	sdelay $0x3  }
0x2a: {  	s14 =	simm.s32 $0x1  }
0x2b: {  	_ =	swait.ge [sflag:s4], $0x2000;
	s14 =	simm.s32 @!p0 $0x0  }
0x2c: {  	[sflag:s4] =	ssyncset.done $0x0;
	s15 =	sshll.u32 s14, $0xD  }
0x2d: {  	[sflag:s4] =	ssyncadd.s32 $0xFFFFE000;
	s18 =	sor.u32 $0x20, s15  }
0x2e: {  	s14 =	smul.u32 $0x8100, s14;
	v3 =	vld [tilespmem:s18+$0x10]  }
0x2f: {  	s30 =	sand.u32 $0x1, s11;
	v2 =	vld [tilespmem:s18+$0xFFFFFFF0]  }
0x30: {  	s15 =	smul.u32 $0x8100, s30;
	s14 =	sshrl.u32 s14, $0x2;
	v0 =	vld [tilespmem:s18+$0x0]  }
0x31: {  	v1 =	vld [tilespmem:s18+$0xFFFFFFE0];
	s16 =	sor.u32 $0x4000, s14  }
0x32: {  	s31 =	sshrl.u32 s15, $0x2;
	s15 =	sadd.s32 $0x0, s16  }
0x33: {  	s17 =	simm.s32 $0x4;
	s18 =	sadd.s32 $0x40, s18;
	s14 =	sor.u32 $0x4000, s31;
	[tilespmem:s15+$0x1830 ss:$0x81] =	vst.msk $0xffff, v3  }
.LBB1_3:
0x34: {  	v3 =	vld [tilespmem:s18+$0x10];
	p1 =	sne.s32 s17, $0x1FC;
	[tilespmem:s15+$0x810 ss:$0x81] =	vst.msk $0xffff, v2;
	s19 =	smov.u32 s17;
	s17 =	sadd.s32 $0x4, s17  }
.Ltmp3:
0x35: {  	v2 =	vld [tilespmem:s18+$0xFFFFFFF0];
	[tilespmem:s15+$0x1020 ss:$0x81] =	vst.msk $0xffff, v0;
	(pc) =	sbr.rel @p1 .LBB1_3-.Ltmp3, $4  }
0x36: {  	v0 =	vld [tilespmem:s18+$0x0];
	[tilespmem:s15+$0x0 ss:$0x81] =	vst.msk $0xffff, v1  }
0x37: {  	s15 =	sshra.s32 s19, $0x2;
	v1 =	vld [tilespmem:s18+$0xFFFFFFE0]  }
0x38: {  	s15 =	sadd.s32 s15, s16  }
0x39: {  	s18 =	sadd.s32 $0x40, s18;
	[tilespmem:s15+$0x1830 ss:$0x81] =	vst.msk $0xffff, v3  }
.Ltmp4:
0x3a: {  	_ = 	snop;
	(pc) =	sbr.rel .LBB1_4-.Ltmp4, $1  }
0x3b: {  	_ =	sdelay $0x3  }
.LBB1_6:
0x3c: {  	_ =	sfence.sel $0x180000  }
0x3d: {  	s2 =	simm.s32 $0x1;
	[bflag:$0x0] =	sbarrier.arrive $0xFFFF  }
0x3e: {  	s31 =	simm.s32 $0x2;
	[sflag:s2] =	ssyncpa.u1 $0x1  }
0x3f: {  	[sflag:s31] =	ssyncpa.u1 $0x1  }
0x40: {  	p0 =	sne.s32 s0, $0x0;
	_ =	strace $0x9000004A  }
0x41: {  	s0 =	sadd.s32 @!p0 $0x100000, s1;
	[bflag:$0x2] =	sbarrier.arrive $0xFFFF  }
0x42: {  	[sflag:s0] =	ssyncadd.tile.s32 @!p0 $0x1;
	_ =	shalt  }
.Lfunc_end1:
_tile_overlayer_lowered:
.L_overlay_start_2:
0x43: {  	(tag) =	ssettag $0x2  }
0x44: {  	s0 =	rddreg [dreg:$0x0];
	s2 =	stileid.u32  }
0x45: {  	s1 =	rddreg [dreg:$0x1];
	p0 =	sne.s32 s2, $0x0  }
0x46: {  	s3 =	rddreg [dreg:$0x2];
	[bflag:$0x3] =	sbarrier.arrive $0xFFFF;
	s2 =	simm.s32 @!p0 $0x1C01  }
0x47: {  	[timem:s3], [sflag:s2] =	dma.local @!p0 [hbm:s0], s1  }
0x48: {  	s0 =	simm.s32 @!p0 $0x1  }
0x49: {  	_ =	swait.ge @!p0 [sflag:s0], s1  }
0x4a: {  	s1 =	ssub.s32 @!p0 $0x0, s1;
	[sflag:s0] =	ssyncset.done @!p0 $0x0  }
0x4b: {  	[sflag:s0] =	ssyncadd.s32 @!p0 s1  }
0x4c: {  	[bflag:$0x3] =	sbarrier.arrive $0xFFFF  }
0x4d: {  	_ =	shalt  }

</sc_bundles>
